<compile_context>
chip_gen: v7x
topology: tpu7x:2x2x1
jax: 0.10.2.dev20260603
libtpu: 0.0.44.dev20260713+nightly
codegen_flags: <defaults>
</compile_context>

<pallas_src>
import functools

import jax
import jax.numpy as jnp
from jax import lax
from jax.experimental import pallas as pl
from jax.experimental.pallas import tpu as pltpu
from jax.experimental.pallas import tpu_sc as plsc

_NC = 2
_NS = 16
_NW = _NC * _NS
_CHUNK = 8
_NBUF = 4


def kernel(pe, position_ids, length):
    num_indices = position_ids.shape[1]
    width = pe.shape[1]
    rows_per_w = num_indices // _NW
    nchunks = rows_per_w // _CHUNK
    idx = position_ids.reshape(num_indices).astype(jnp.int32)
    mesh = plsc.VectorSubcoreMesh(core_axis_name="core", subcore_axis_name="subcore")

    @functools.partial(
        pl.kernel,
        out_type=jax.ShapeDtypeStruct((num_indices, width), pe.dtype),
        mesh=mesh,
        scratch_types=(
            [pltpu.VMEM((rows_per_w,), jnp.int32)]
            + [pltpu.VMEM((_CHUNK, width), pe.dtype) for _ in range(_NBUF)]
            + [pltpu.SemaphoreType.DMA for _ in range(2 * _NBUF)]
        ),
    )
    def gather_kernel(x_hbm, i_hbm, o_hbm, idx_v, *scratch):
        bufs = scratch[:_NBUF]
        gsems = scratch[_NBUF:2 * _NBUF]
        wsems = scratch[2 * _NBUF:]
        wid = lax.axis_index("subcore") * _NC + lax.axis_index("core")
        base = wid * rows_per_w
        pltpu.sync_copy(i_hbm.at[pl.ds(base, rows_per_w)], idx_v)

        gathers = [None] * nchunks
        writes = [None] * nchunks
        for c in range(nchunks):
            b = c % _NBUF
            if c >= _NBUF:
                writes[c - _NBUF].wait()
            gathers[c] = pltpu.async_copy(
                x_hbm.at[idx_v.at[pl.ds(c * _CHUNK, _CHUNK)]], bufs[b], gsems[b])
            if c >= 1:
                gathers[c - 1].wait()
                writes[c - 1] = pltpu.async_copy(
                    bufs[(c - 1) % _NBUF],
                    o_hbm.at[pl.ds(base + (c - 1) * _CHUNK, _CHUNK)],
                    wsems[(c - 1) % _NBUF])
        last = nchunks - 1
        gathers[last].wait()
        writes[last] = pltpu.async_copy(
            bufs[last % _NBUF], o_hbm.at[pl.ds(base + last * _CHUNK, _CHUNK)],
            wsems[last % _NBUF])
        for c in range(max(0, nchunks - _NBUF), nchunks):
            writes[c].wait()

    out = gather_kernel(pe, idx)
    return out[None]

# --- scband reference (transcript-rebuilt; emitter-appended) ---
"""Pipeline reference for scband-learned-positional-embeddings-30554397344084 (READ-ONLY COPY).

The authoritative reference and input builder live on the scoring server;
editing this copy changes nothing except your own understanding.
"""

import jax, jax.numpy as jnp
import numpy as np

MAX_LEN = 8192
WIDTH = 2048

def setup_inputs(seed: int = 0) -> dict:
    key = jax.random.key(seed)
    k_pe, = jax.random.split(key, 1)
    pe = jax.random.normal(k_pe, (MAX_LEN, WIDTH), dtype=jnp.float32) * 0.02
    position_ids = jnp.arange(MAX_LEN, dtype=jnp.int64 if jax.config.jax_enable_x64 else jnp.int32)[None, :]
    length = 8192
    return {"pe": pe, "position_ids": position_ids, "length": length}

def reference(pe, position_ids, length):
    # Equivalent of nn.Embedding lookup: pe(position_ids[:, :length])
    static_len = position_ids.shape[1]
    pos = jnp.arange(static_len, dtype=position_ids.dtype)[None, :]
    idx = jnp.where(pos < length, position_ids[:, :static_len], position_ids[:, :static_len])
    out = jnp.take(pe, idx, axis=0)  # (1, length, width)
    return out

if __name__ == "__main__":
    import jax
    _d = setup_inputs()
    print(jax.jit(kernel)(*tuple(_d.values())))

</pallas_src>

<mosaic_0001>
#map = affine_map<(d0, d1) -> (0, 0)>
#map1 = affine_map<(d0, d1) -> (0)>
module attributes {stable_mosaic.version = 14 : i64} {
  func.func @gather_kernel(%arg0: i32, %arg1: i32, %arg2: memref<8192x2048xf32, #tpu.memory_space<hbm>>, %arg3: memref<8192xi32, #tpu.memory_space<hbm>>, %arg4: memref<8192x2048xf32, #tpu.memory_space<hbm>>, %arg5: memref<256xi32, #tpu.memory_space<vmem>>, %arg6: memref<8x2048xf32, #tpu.memory_space<vmem>>, %arg7: memref<8x2048xf32, #tpu.memory_space<vmem>>, %arg8: memref<8x2048xf32, #tpu.memory_space<vmem>>, %arg9: memref<8x2048xf32, #tpu.memory_space<vmem>>, %arg10: memref<!tpu.dma_semaphore, #tpu.memory_space<semaphore_mem>>, %arg11: memref<!tpu.dma_semaphore, #tpu.memory_space<semaphore_mem>>, %arg12: memref<!tpu.dma_semaphore, #tpu.memory_space<semaphore_mem>>, %arg13: memref<!tpu.dma_semaphore, #tpu.memory_space<semaphore_mem>>, %arg14: memref<!tpu.dma_semaphore, #tpu.memory_space<semaphore_mem>>, %arg15: memref<!tpu.dma_semaphore, #tpu.memory_space<semaphore_mem>>, %arg16: memref<!tpu.dma_semaphore, #tpu.memory_space<semaphore_mem>>, %arg17: memref<!tpu.dma_semaphore, #tpu.memory_space<semaphore_mem>>) attributes {dimension_semantics = [#tpu.dimension_semantics<core_parallel>, #tpu.dimension_semantics<subcore_parallel>], iteration_bounds = array<i64: 2, 16>, scalar_prefetch = 0 : i64, scratch_operands = 13 : i64, tpu.core_type = #tpu.core_type<sc_vector_subcore>, window_params = [{transform_indices = #map}, {transform_indices = #map1}, {transform_indices = #map}]} {
    %mul3A = arith.constant 2 : i32
    %mul3A_0 = arith.muli %arg1, %mul3A : i32
    %add3A = arith.addi %mul3A_0, %arg0 : i32
    %mul3A_1 = arith.constant 256 : i32
    %mul3A_2 = arith.muli %add3A, %mul3A_1 : i32
    "tpu.region"() ({
      %run_scoped3A = tpu.sem_alloc : memref<!tpu.dma_semaphore, #tpu.memory_space<semaphore_mem>>
      %dma_start3A_641 = tpu.memref_slice %arg3[%mul3A_2] : memref<8192xi32, #tpu.memory_space<hbm>> -> memref<256xi32, #tpu.memory_space<hbm>>
      %dma_start3A_642 = tpu.memref_slice %arg3[%mul3A_2] : memref<8192xi32, #tpu.memory_space<hbm>> -> memref<256xi32, #tpu.memory_space<hbm>>
      tpu.enqueue_dma source(%dma_start3A_642 : memref<256xi32, #tpu.memory_space<hbm>>) target(%arg5 : memref<256xi32, #tpu.memory_space<vmem>>) target_semaphore(%run_scoped3A : memref<!tpu.dma_semaphore, #tpu.memory_space<semaphore_mem>>)
      %dma_wait3A_643 = tpu.memref_slice %arg3[%mul3A_2] : memref<8192xi32, #tpu.memory_space<hbm>> -> memref<256xi32, #tpu.memory_space<hbm>>
      %dma_wait3A_644 = tpu.memref_slice %arg3[%mul3A_2] : memref<8192xi32, #tpu.memory_space<hbm>> -> memref<256xi32, #tpu.memory_space<hbm>>
      tpu.wait_dma2 semaphore(%run_scoped3A : memref<!tpu.dma_semaphore, #tpu.memory_space<semaphore_mem>>) src(%dma_wait3A_644 : memref<256xi32, #tpu.memory_space<hbm>>) dst(%arg5 : memref<256xi32, #tpu.memory_space<vmem>>)
      tpu.yield
    }) : () -> ()
    %dma_start3A = arith.constant 0 : i32
    %dma_start3A_3 = tpu.memref_slice %arg5[%dma_start3A] : memref<256xi32, #tpu.memory_space<vmem>> -> memref<8xi32, #tpu.memory_space<vmem>>
    %dma_start3A_4 = arith.constant 0 : i32
    %dma_start3A_5 = arith.constant 0 : i32
    %dma_start3A_6 = tpu.memref_slice %arg2[%dma_start3A_4, %dma_start3A_5] : memref<8192x2048xf32, #tpu.memory_space<hbm>> -> memref<8192x2048xf32, #tpu.memory_space<hbm>>
    tpu.enqueue_indirect_dma source(%dma_start3A_6 : memref<8192x2048xf32, #tpu.memory_space<hbm>>) target(%arg6 : memref<8x2048xf32, #tpu.memory_space<vmem>>) offsets(%dma_start3A_3 : memref<8xi32, #tpu.memory_space<vmem>>) semaphore(%arg10 : memref<!tpu.dma_semaphore, #tpu.memory_space<semaphore_mem>>)
    %dma_start3A_7 = arith.constant 8 : i32
    %dma_start3A_8 = tpu.memref_slice %arg5[%dma_start3A_7] : memref<256xi32, #tpu.memory_space<vmem>> -> memref<8xi32, #tpu.memory_space<vmem>>
    %dma_start3A_9 = arith.constant 0 : i32
    %dma_start3A_10 = arith.constant 0 : i32
    %dma_start3A_11 = tpu.memref_slice %arg2[%dma_start3A_9, %dma_start3A_10] : memref<8192x2048xf32, #tpu.memory_space<hbm>> -> memref<8192x2048xf32, #tpu.memory_space<hbm>>
    tpu.enqueue_indirect_dma source(%dma_start3A_11 : memref<8192x2048xf32, #tpu.memory_space<hbm>>) target(%arg7 : memref<8x2048xf32, #tpu.memory_space<vmem>>) offsets(%dma_start3A_8 : memref<8xi32, #tpu.memory_space<vmem>>) semaphore(%arg11 : memref<!tpu.dma_semaphore, #tpu.memory_space<semaphore_mem>>)
    %dma_wait3A = arith.constant 0 : i32
    %dma_wait3A_12 = tpu.memref_slice %arg5[%dma_wait3A] : memref<256xi32, #tpu.memory_space<vmem>> -> memref<8xi32, #tpu.memory_space<vmem>>
    %dma_wait3A_13 = arith.constant 0 : i32
    %dma_wait3A_14 = arith.constant 0 : i32
    %dma_wait3A_15 = tpu.memref_slice %arg2[%dma_wait3A_13, %dma_wait3A_14] : memref<8192x2048xf32, #tpu.memory_space<hbm>> -> memref<8192x2048xf32, #tpu.memory_space<hbm>>
    tpu.wait_indirect_dma semaphore(%arg10 : memref<!tpu.dma_semaphore, #tpu.memory_space<semaphore_mem>>) src(%dma_wait3A_15 : memref<8192x2048xf32, #tpu.memory_space<hbm>>) dst(%arg6 : memref<8x2048xf32, #tpu.memory_space<vmem>>)
    %add3A_16 = arith.constant 0 : i32
    %add3A_17 = arith.addi %mul3A_2, %add3A_16 : i32
    %dma_start3A_18 = arith.constant 0 : i32
    %dma_start3A_19 = tpu.memref_slice %arg4[%add3A_17, %dma_start3A_18] : memref<8192x2048xf32, #tpu.memory_space<hbm>> -> memref<8x2048xf32, #tpu.memory_space<hbm>>
    %dma_start3A_20 = arith.constant 0 : i32
    %dma_start3A_21 = tpu.memref_slice %arg4[%add3A_17, %dma_start3A_20] : memref<8192x2048xf32, #tpu.memory_space<hbm>> -> memref<8x2048xf32, #tpu.memory_space<hbm>>
    tpu.enqueue_dma source(%arg6 : memref<8x2048xf32, #tpu.memory_space<vmem>>) target(%dma_start3A_21 : memref<8x2048xf32, #tpu.memory_space<hbm>>) target_semaphore(%arg14 : memref<!tpu.dma_semaphore, #tpu.memory_space<semaphore_mem>>)
    %dma_start3A_22 = arith.constant 16 : i32
    %dma_start3A_23 = tpu.memref_slice %arg5[%dma_start3A_22] : memref<256xi32, #tpu.memory_space<vmem>> -> memref<8xi32, #tpu.memory_space<vmem>>
    %dma_start3A_24 = arith.constant 0 : i32
    %dma_start3A_25 = arith.constant 0 : i32
    %dma_start3A_26 = tpu.memref_slice %arg2[%dma_start3A_24, %dma_start3A_25] : memref<8192x2048xf32, #tpu.memory_space<hbm>> -> memref<8192x2048xf32, #tpu.memory_space<hbm>>
    tpu.enqueue_indirect_dma source(%dma_start3A_26 : memref<8192x2048xf32, #tpu.memory_space<hbm>>) target(%arg8 : memref<8x2048xf32, #tpu.memory_space<vmem>>) offsets(%dma_start3A_23 : memref<8xi32, #tpu.memory_space<vmem>>) semaphore(%arg12 : memref<!tpu.dma_semaphore, #tpu.memory_space<semaphore_mem>>)
    %dma_wait3A_27 = arith.constant 8 : i32
    %dma_wait3A_28 = tpu.memref_slice %arg5[%dma_wait3A_27] : memref<256xi32, #tpu.memory_space<vmem>> -> memref<8xi32, #tpu.memory_space<vmem>>
    %dma_wait3A_29 = arith.constant 0 : i32
    %dma_wait3A_30 = arith.constant 0 : i32
    %dma_wait3A_31 = tpu.memref_slice %arg2[%dma_wait3A_29, %dma_wait3A_30] : memref<8192x2048xf32, #tpu.memory_space<hbm>> -> memref<8192x2048xf32, #tpu.memory_space<hbm>>
    tpu.wait_indirect_dma semaphore(%arg11 : memref<!tpu.dma_semaphore, #tpu.memory_space<semaphore_mem>>) src(%dma_wait3A_31 : memref<8192x2048xf32, #tpu.memory_space<hbm>>) dst(%arg7 : memref<8x2048xf32, #tpu.memory_space<vmem>>)
    %add3A_32 = arith.constant 8 : i32
    %add3A_33 = arith.addi %mul3A_2, %add3A_32 : i32
    %dma_start3A_34 = arith.constant 0 : i32
    %dma_start3A_35 = tpu.memref_slice %arg4[%add3A_33, %dma_start3A_34] : memref<8192x2048xf32, #tpu.memory_space<hbm>> -> memref<8x2048xf32, #tpu.memory_space<hbm>>
    %dma_start3A_36 = arith.constant 0 : i32
    %dma_start3A_37 = tpu.memref_slice %arg4[%add3A_33, %dma_start3A_36] : memref<8192x2048xf32, #tpu.memory_space<hbm>> -> memref<8x2048xf32, #tpu.memory_space<hbm>>
    tpu.enqueue_dma source(%arg7 : memref<8x2048xf32, #tpu.memory_space<vmem>>) target(%dma_start3A_37 : memref<8x2048xf32, #tpu.memory_space<hbm>>) target_semaphore(%arg15 : memref<!tpu.dma_semaphore, #tpu.memory_space<semaphore_mem>>)
    %dma_start3A_38 = arith.constant 24 : i32
    %dma_start3A_39 = tpu.memref_slice %arg5[%dma_start3A_38] : memref<256xi32, #tpu.memory_space<vmem>> -> memref<8xi32, #tpu.memory_space<vmem>>
    %dma_start3A_40 = arith.constant 0 : i32
    %dma_start3A_41 = arith.constant 0 : i32
    %dma_start3A_42 = tpu.memref_slice %arg2[%dma_start3A_40, %dma_start3A_41] : memref<8192x2048xf32, #tpu.memory_space<hbm>> -> memref<8192x2048xf32, #tpu.memory_space<hbm>>
    tpu.enqueue_indirect_dma source(%dma_start3A_42 : memref<8192x2048xf32, #tpu.memory_space<hbm>>) target(%arg9 : memref<8x2048xf32, #tpu.memory_space<vmem>>) offsets(%dma_start3A_39 : memref<8xi32, #tpu.memory_space<vmem>>) semaphore(%arg13 : memref<!tpu.dma_semaphore, #tpu.memory_space<semaphore_mem>>)
    %dma_wait3A_43 = arith.constant 16 : i32
    %dma_wait3A_44 = tpu.memref_slice %arg5[%dma_wait3A_43] : memref<256xi32, #tpu.memory_space<vmem>> -> memref<8xi32, #tpu.memory_space<vmem>>
    %dma_wait3A_45 = arith.constant 0 : i32
    %dma_wait3A_46 = arith.constant 0 : i32
    %dma_wait3A_47 = tpu.memref_slice %arg2[%dma_wait3A_45, %dma_wait3A_46] : memref<8192x2048xf32, #tpu.memory_space<hbm>> -> memref<8192x2048xf32, #tpu.memory_space<hbm>>
    tpu.wait_indirect_dma semaphore(%arg12 : memref<!tpu.dma_semaphore, #tpu.memory_space<semaphore_mem>>) src(%dma_wait3A_47 : memref<8192x2048xf32, #tpu.memory_space<hbm>>) dst(%arg8 : memref<8x2048xf32, #tpu.memory_space<vmem>>)
    %add3A_48 = arith.constant 16 : i32
    %add3A_49 = arith.addi %mul3A_2, %add3A_48 : i32
    %dma_start3A_50 = arith.constant 0 : i32
    %dma_start3A_51 = tpu.memref_slice %arg4[%add3A_49, %dma_start3A_50] : memref<8192x2048xf32, #tpu.memory_space<hbm>> -> memref<8x2048xf32, #tpu.memory_space<hbm>>
    %dma_start3A_52 = arith.constant 0 : i32
    %dma_start3A_53 = tpu.memref_slice %arg4[%add3A_49, %dma_start3A_52] : memref<8192x2048xf32, #tpu.memory_space<hbm>> -> memref<8x2048xf32, #tpu.memory_space<hbm>>
    tpu.enqueue_dma source(%arg8 : memref<8x2048xf32, #tpu.memory_space<vmem>>) target(%dma_start3A_53 : memref<8x2048xf32, #tpu.memory_space<hbm>>) target_semaphore(%arg16 : memref<!tpu.dma_semaphore, #tpu.memory_space<semaphore_mem>>)
    %dma_wait3A_54 = arith.constant 0 : i32
    %dma_wait3A_55 = tpu.memref_slice %arg4[%add3A_17, %dma_wait3A_54] : memref<8192x2048xf32, #tpu.memory_space<hbm>> -> memref<8x2048xf32, #tpu.memory_space<hbm>>
    %dma_wait3A_56 = arith.constant 0 : i32
    %dma_wait3A_57 = tpu.memref_slice %arg4[%add3A_17, %dma_wait3A_56] : memref<8192x2048xf32, #tpu.memory_space<hbm>> -> memref<8x2048xf32, #tpu.memory_space<hbm>>
    tpu.wait_dma2 semaphore(%arg14 : memref<!tpu.dma_semaphore, #tpu.memory_space<semaphore_mem>>) src(%arg6 : memref<8x2048xf32, #tpu.memory_space<vmem>>) dst(%dma_wait3A_57 : memref<8x2048xf32, #tpu.memory_space<hbm>>)
    %dma_start3A_58 = arith.constant 32 : i32
    %dma_start3A_59 = tpu.memref_slice %arg5[%dma_start3A_58] : memref<256xi32, #tpu.memory_space<vmem>> -> memref<8xi32, #tpu.memory_space<vmem>>
    %dma_start3A_60 = arith.constant 0 : i32
    %dma_start3A_61 = arith.constant 0 : i32
    %dma_start3A_62 = tpu.memref_slice %arg2[%dma_start3A_60, %dma_start3A_61] : memref<8192x2048xf32, #tpu.memory_space<hbm>> -> memref<8192x2048xf32, #tpu.memory_space<hbm>>
    tpu.enqueue_indirect_dma source(%dma_start3A_62 : memref<8192x2048xf32, #tpu.memory_space<hbm>>) target(%arg6 : memref<8x2048xf32, #tpu.memory_space<vmem>>) offsets(%dma_start3A_59 : memref<8xi32, #tpu.memory_space<vmem>>) semaphore(%arg10 : memref<!tpu.dma_semaphore, #tpu.memory_space<semaphore_mem>>)
    %dma_wait3A_63 = arith.constant 24 : i32
    %dma_wait3A_64 = tpu.memref_slice %arg5[%dma_wait3A_63] : memref<256xi32, #tpu.memory_space<vmem>> -> memref<8xi32, #tpu.memory_space<vmem>>
    %dma_wait3A_65 = arith.constant 0 : i32
    %dma_wait3A_66 = arith.constant 0 : i32
    %dma_wait3A_67 = tpu.memref_slice %arg2[%dma_wait3A_65, %dma_wait3A_66] : memref<8192x2048xf32, #tpu.memory_space<hbm>> -> memref<8192x2048xf32, #tpu.memory_space<hbm>>
    tpu.wait_indirect_dma semaphore(%arg13 : memref<!tpu.dma_semaphore, #tpu.memory_space<semaphore_mem>>) src(%dma_wait3A_67 : memref<8192x2048xf32, #tpu.memory_space<hbm>>) dst(%arg9 : memref<8x2048xf32, #tpu.memory_space<vmem>>)
    %add3A_68 = arith.constant 24 : i32
    %add3A_69 = arith.addi %mul3A_2, %add3A_68 : i32
    %dma_start3A_70 = arith.constant 0 : i32
    %dma_start3A_71 = tpu.memref_slice %arg4[%add3A_69, %dma_start3A_70] : memref<8192x2048xf32, #tpu.memory_space<hbm>> -> memref<8x2048xf32, #tpu.memory_space<hbm>>
    %dma_start3A_72 = arith.constant 0 : i32
    %dma_start3A_73 = tpu.memref_slice %arg4[%add3A_69, %dma_start3A_72] : memref<8192x2048xf32, #tpu.memory_space<hbm>> -> memref<8x2048xf32, #tpu.memory_space<hbm>>
    tpu.enqueue_dma source(%arg9 : memref<8x2048xf32, #tpu.memory_space<vmem>>) target(%dma_start3A_73 : memref<8x2048xf32, #tpu.memory_space<hbm>>) target_semaphore(%arg17 : memref<!tpu.dma_semaphore, #tpu.memory_space<semaphore_mem>>)
    %dma_wait3A_74 = arith.constant 0 : i32
    %dma_wait3A_75 = tpu.memref_slice %arg4[%add3A_33, %dma_wait3A_74] : memref<8192x2048xf32, #tpu.memory_space<hbm>> -> memref<8x2048xf32, #tpu.memory_space<hbm>>
    %dma_wait3A_76 = arith.constant 0 : i32
    %dma_wait3A_77 = tpu.memref_slice %arg4[%add3A_33, %dma_wait3A_76] : memref<8192x2048xf32, #tpu.memory_space<hbm>> -> memref<8x2048xf32, #tpu.memory_space<hbm>>
    tpu.wait_dma2 semaphore(%arg15 : memref<!tpu.dma_semaphore, #tpu.memory_space<semaphore_mem>>) src(%arg7 : memref<8x2048xf32, #tpu.memory_space<vmem>>) dst(%dma_wait3A_77 : memref<8x2048xf32, #tpu.memory_space<hbm>>)
    %dma_start3A_78 = arith.constant 40 : i32
    %dma_start3A_79 = tpu.memref_slice %arg5[%dma_start3A_78] : memref<256xi32, #tpu.memory_space<vmem>> -> memref<8xi32, #tpu.memory_space<vmem>>
    %dma_start3A_80 = arith.constant 0 : i32
    %dma_start3A_81 = arith.constant 0 : i32
    %dma_start3A_82 = tpu.memref_slice %arg2[%dma_start3A_80, %dma_start3A_81] : memref<8192x2048xf32, #tpu.memory_space<hbm>> -> memref<8192x2048xf32, #tpu.memory_space<hbm>>
    tpu.enqueue_indirect_dma source(%dma_start3A_82 : memref<8192x2048xf32, #tpu.memory_space<hbm>>) target(%arg7 : memref<8x2048xf32, #tpu.memory_space<vmem>>) offsets(%dma_start3A_79 : memref<8xi32, #tpu.memory_space<vmem>>) semaphore(%arg11 : memref<!tpu.dma_semaphore, #tpu.memory_space<semaphore_mem>>)
    %dma_wait3A_83 = arith.constant 32 : i32
    %dma_wait3A_84 = tpu.memref_slice %arg5[%dma_wait3A_83] : memref<256xi32, #tpu.memory_space<vmem>> -> memref<8xi32, #tpu.memory_space<vmem>>
    %dma_wait3A_85 = arith.constant 0 : i32
    %dma_wait3A_86 = arith.constant 0 : i32
    %dma_wait3A_87 = tpu.memref_slice %arg2[%dma_wait3A_85, %dma_wait3A_86] : memref<8192x2048xf32, #tpu.memory_space<hbm>> -> memref<8192x2048xf32, #tpu.memory_space<hbm>>
    tpu.wait_indirect_dma semaphore(%arg10 : memref<!tpu.dma_semaphore, #tpu.memory_space<semaphore_mem>>) src(%dma_wait3A_87 : memref<8192x2048xf32, #tpu.memory_space<hbm>>) dst(%arg6 : memref<8x2048xf32, #tpu.memory_space<vmem>>)
    %add3A_88 = arith.constant 32 : i32
    %add3A_89 = arith.addi %mul3A_2, %add3A_88 : i32
    %dma_start3A_90 = arith.constant 0 : i32
    %dma_start3A_91 = tpu.memref_slice %arg4[%add3A_89, %dma_start3A_90] : memref<8192x2048xf32, #tpu.memory_space<hbm>> -> memref<8x2048xf32, #tpu.memory_space<hbm>>
    %dma_start3A_92 = arith.constant 0 : i32
    %dma_start3A_93 = tpu.memref_slice %arg4[%add3A_89, %dma_start3A_92] : memref<8192x2048xf32, #tpu.memory_space<hbm>> -> memref<8x2048xf32, #tpu.memory_space<hbm>>
    tpu.enqueue_dma source(%arg6 : memref<8x2048xf32, #tpu.memory_space<vmem>>) target(%dma_start3A_93 : memref<8x2048xf32, #tpu.memory_space<hbm>>) target_semaphore(%arg14 : memref<!tpu.dma_semaphore, #tpu.memory_space<semaphore_mem>>)
    %dma_wait3A_94 = arith.constant 0 : i32
    %dma_wait3A_95 = tpu.memref_slice %arg4[%add3A_49, %dma_wait3A_94] : memref<8192x2048xf32, #tpu.memory_space<hbm>> -> memref<8x2048xf32, #tpu.memory_space<hbm>>
    %dma_wait3A_96 = arith.constant 0 : i32
    %dma_wait3A_97 = tpu.memref_slice %arg4[%add3A_49, %dma_wait3A_96] : memref<8192x2048xf32, #tpu.memory_space<hbm>> -> memref<8x2048xf32, #tpu.memory_space<hbm>>
    tpu.wait_dma2 semaphore(%arg16 : memref<!tpu.dma_semaphore, #tpu.memory_space<semaphore_mem>>) src(%arg8 : memref<8x2048xf32, #tpu.memory_space<vmem>>) dst(%dma_wait3A_97 : memref<8x2048xf32, #tpu.memory_space<hbm>>)
    %dma_start3A_98 = arith.constant 48 : i32
    %dma_start3A_99 = tpu.memref_slice %arg5[%dma_start3A_98] : memref<256xi32, #tpu.memory_space<vmem>> -> memref<8xi32, #tpu.memory_space<vmem>>
    %dma_start3A_100 = arith.constant 0 : i32
    %dma_start3A_101 = arith.constant 0 : i32
    %dma_start3A_102 = tpu.memref_slice %arg2[%dma_start3A_100, %dma_start3A_101] : memref<8192x2048xf32, #tpu.memory_space<hbm>> -> memref<8192x2048xf32, #tpu.memory_space<hbm>>
    tpu.enqueue_indirect_dma source(%dma_start3A_102 : memref<8192x2048xf32, #tpu.memory_space<hbm>>) target(%arg8 : memref<8x2048xf32, #tpu.memory_space<vmem>>) offsets(%dma_start3A_99 : memref<8xi32, #tpu.memory_space<vmem>>) semaphore(%arg12 : memref<!tpu.dma_semaphore, #tpu.memory_space<semaphore_mem>>)
    %dma_wait3A_103 = arith.constant 40 : i32
    %dma_wait3A_104 = tpu.memref_slice %arg5[%dma_wait3A_103] : memref<256xi32, #tpu.memory_space<vmem>> -> memref<8xi32, #tpu.memory_space<vmem>>
    %dma_wait3A_105 = arith.constant 0 : i32
    %dma_wait3A_106 = arith.constant 0 : i32
    %dma_wait3A_107 = tpu.memref_slice %arg2[%dma_wait3A_105, %dma_wait3A_106] : memref<8192x2048xf32, #tpu.memory_space<hbm>> -> memref<8192x2048xf32, #tpu.memory_space<hbm>>
    tpu.wait_indirect_dma semaphore(%arg11 : memref<!tpu.dma_semaphore, #tpu.memory_space<semaphore_mem>>) src(%dma_wait3A_107 : memref<8192x2048xf32, #tpu.memory_space<hbm>>) dst(%arg7 : memref<8x2048xf32, #tpu.memory_space<vmem>>)
    %add3A_108 = arith.constant 40 : i32
    %add3A_109 = arith.addi %mul3A_2, %add3A_108 : i32
    %dma_start3A_110 = arith.constant 0 : i32
    %dma_start3A_111 = tpu.memref_slice %arg4[%add3A_109, %dma_start3A_110] : memref<8192x2048xf32, #tpu.memory_space<hbm>> -> memref<8x2048xf32, #tpu.memory_space<hbm>>
    %dma_start3A_112 = arith.constant 0 : i32
    %dma_start3A_113 = tpu.memref_slice %arg4[%add3A_109, %dma_start3A_112] : memref<8192x2048xf32, #tpu.memory_space<hbm>> -> memref<8x2048xf32, #tpu.memory_space<hbm>>
    tpu.enqueue_dma source(%arg7 : memref<8x2048xf32, #tpu.memory_space<vmem>>) target(%dma_start3A_113 : memref<8x2048xf32, #tpu.memory_space<hbm>>) target_semaphore(%arg15 : memref<!tpu.dma_semaphore, #tpu.memory_space<semaphore_mem>>)
    %dma_wait3A_114 = arith.constant 0 : i32
    %dma_wait3A_115 = tpu.memref_slice %arg4[%add3A_69, %dma_wait3A_114] : memref<8192x2048xf32, #tpu.memory_space<hbm>> -> memref<8x2048xf32, #tpu.memory_space<hbm>>
    %dma_wait3A_116 = arith.constant 0 : i32
    %dma_wait3A_117 = tpu.memref_slice %arg4[%add3A_69, %dma_wait3A_116] : memref<8192x2048xf32, #tpu.memory_space<hbm>> -> memref<8x2048xf32, #tpu.memory_space<hbm>>
    tpu.wait_dma2 semaphore(%arg17 : memref<!tpu.dma_semaphore, #tpu.memory_space<semaphore_mem>>) src(%arg9 : memref<8x2048xf32, #tpu.memory_space<vmem>>) dst(%dma_wait3A_117 : memref<8x2048xf32, #tpu.memory_space<hbm>>)
    %dma_start3A_118 = arith.constant 56 : i32
    %dma_start3A_119 = tpu.memref_slice %arg5[%dma_start3A_118] : memref<256xi32, #tpu.memory_space<vmem>> -> memref<8xi32, #tpu.memory_space<vmem>>
    %dma_start3A_120 = arith.constant 0 : i32
    %dma_start3A_121 = arith.constant 0 : i32
    %dma_start3A_122 = tpu.memref_slice %arg2[%dma_start3A_120, %dma_start3A_121] : memref<8192x2048xf32, #tpu.memory_space<hbm>> -> memref<8192x2048xf32, #tpu.memory_space<hbm>>
    tpu.enqueue_indirect_dma source(%dma_start3A_122 : memref<8192x2048xf32, #tpu.memory_space<hbm>>) target(%arg9 : memref<8x2048xf32, #tpu.memory_space<vmem>>) offsets(%dma_start3A_119 : memref<8xi32, #tpu.memory_space<vmem>>) semaphore(%arg13 : memref<!tpu.dma_semaphore, #tpu.memory_space<semaphore_mem>>)
    %dma_wait3A_123 = arith.constant 48 : i32
    %dma_wait3A_124 = tpu.memref_slice %arg5[%dma_wait3A_123] : memref<256xi32, #tpu.memory_space<vmem>> -> memref<8xi32, #tpu.memory_space<vmem>>
    %dma_wait3A_125 = arith.constant 0 : i32
    %dma_wait3A_126 = arith.constant 0 : i32
    %dma_wait3A_127 = tpu.memref_slice %arg2[%dma_wait3A_125, %dma_wait3A_126] : memref<8192x2048xf32, #tpu.memory_space<hbm>> -> memref<8192x2048xf32, #tpu.memory_space<hbm>>
    tpu.wait_indirect_dma semaphore(%arg12 : memref<!tpu.dma_semaphore, #tpu.memory_space<semaphore_mem>>) src(%dma_wait3A_127 : memref<8192x2048xf32, #tpu.memory_space<hbm>>) dst(%arg8 : memref<8x2048xf32, #tpu.memory_space<vmem>>)
    %add3A_128 = arith.constant 48 : i32
    %add3A_129 = arith.addi %mul3A_2, %add3A_128 : i32
    %dma_start3A_130 = arith.constant 0 : i32
    %dma_start3A_131 = tpu.memref_slice %arg4[%add3A_129, %dma_start3A_130] : memref<8192x2048xf32, #tpu.memory_space<hbm>> -> memref<8x2048xf32, #tpu.memory_space<hbm>>
    %dma_start3A_132 = arith.constant 0 : i32
    %dma_start3A_133 = tpu.memref_slice %arg4[%add3A_129, %dma_start3A_132] : memref<8192x2048xf32, #tpu.memory_space<hbm>> -> memref<8x2048xf32, #tpu.memory_space<hbm>>
    tpu.enqueue_dma source(%arg8 : memref<8x2048xf32, #tpu.memory_space<vmem>>) target(%dma_start3A_133 : memref<8x2048xf32, #tpu.memory_space<hbm>>) target_semaphore(%arg16 : memref<!tpu.dma_semaphore, #tpu.memory_space<semaphore_mem>>)
    %dma_wait3A_134 = arith.constant 0 : i32
    %dma_wait3A_135 = tpu.memref_slice %arg4[%add3A_89, %dma_wait3A_134] : memref<8192x2048xf32, #tpu.memory_space<hbm>> -> memref<8x2048xf32, #tpu.memory_space<hbm>>
    %dma_wait3A_136 = arith.constant 0 : i32
    %dma_wait3A_137 = tpu.memref_slice %arg4[%add3A_89, %dma_wait3A_136] : memref<8192x2048xf32, #tpu.memory_space<hbm>> -> memref<8x2048xf32, #tpu.memory_space<hbm>>
    tpu.wait_dma2 semaphore(%arg14 : memref<!tpu.dma_semaphore, #tpu.memory_space<semaphore_mem>>) src(%arg6 : memref<8x2048xf32, #tpu.memory_space<vmem>>) dst(%dma_wait3A_137 : memref<8x2048xf32, #tpu.memory_space<hbm>>)
    %dma_start3A_138 = arith.constant 64 : i32
    %dma_start3A_139 = tpu.memref_slice %arg5[%dma_start3A_138] : memref<256xi32, #tpu.memory_space<vmem>> -> memref<8xi32, #tpu.memory_space<vmem>>
    %dma_start3A_140 = arith.constant 0 : i32
    %dma_start3A_141 = arith.constant 0 : i32
    %dma_start3A_142 = tpu.memref_slice %arg2[%dma_start3A_140, %dma_start3A_141] : memref<8192x2048xf32, #tpu.memory_space<hbm>> -> memref<8192x2048xf32, #tpu.memory_space<hbm>>
    tpu.enqueue_indirect_dma source(%dma_start3A_142 : memref<8192x2048xf32, #tpu.memory_space<hbm>>) target(%arg6 : memref<8x2048xf32, #tpu.memory_space<vmem>>) offsets(%dma_start3A_139 : memref<8xi32, #tpu.memory_space<vmem>>) semaphore(%arg10 : memref<!tpu.dma_semaphore, #tpu.memory_space<semaphore_mem>>)
    %dma_wait3A_143 = arith.constant 56 : i32
    %dma_wait3A_144 = tpu.memref_slice %arg5[%dma_wait3A_143] : memref<256xi32, #tpu.memory_space<vmem>> -> memref<8xi32, #tpu.memory_space<vmem>>
    %dma_wait3A_145 = arith.constant 0 : i32
    %dma_wait3A_146 = arith.constant 0 : i32
    %dma_wait3A_147 = tpu.memref_slice %arg2[%dma_wait3A_145, %dma_wait3A_146] : memref<8192x2048xf32, #tpu.memory_space<hbm>> -> memref<8192x2048xf32, #tpu.memory_space<hbm>>
    tpu.wait_indirect_dma semaphore(%arg13 : memref<!tpu.dma_semaphore, #tpu.memory_space<semaphore_mem>>) src(%dma_wait3A_147 : memref<8192x2048xf32, #tpu.memory_space<hbm>>) dst(%arg9 : memref<8x2048xf32, #tpu.memory_space<vmem>>)
    %add3A_148 = arith.constant 56 : i32
    %add3A_149 = arith.addi %mul3A_2, %add3A_148 : i32
    %dma_start3A_150 = arith.constant 0 : i32
    %dma_start3A_151 = tpu.memref_slice %arg4[%add3A_149, %dma_start3A_150] : memref<8192x2048xf32, #tpu.memory_space<hbm>> -> memref<8x2048xf32, #tpu.memory_space<hbm>>
    %dma_start3A_152 = arith.constant 0 : i32
    %dma_start3A_153 = tpu.memref_slice %arg4[%add3A_149, %dma_start3A_152] : memref<8192x2048xf32, #tpu.memory_space<hbm>> -> memref<8x2048xf32, #tpu.memory_space<hbm>>
    tpu.enqueue_dma source(%arg9 : memref<8x2048xf32, #tpu.memory_space<vmem>>) target(%dma_start3A_153 : memref<8x2048xf32, #tpu.memory_space<hbm>>) target_semaphore(%arg17 : memref<!tpu.dma_semaphore, #tpu.memory_space<semaphore_mem>>)
    %dma_wait3A_154 = arith.constant 0 : i32
    %dma_wait3A_155 = tpu.memref_slice %arg4[%add3A_109, %dma_wait3A_154] : memref<8192x2048xf32, #tpu.memory_space<hbm>> -> memref<8x2048xf32, #tpu.memory_space<hbm>>
    %dma_wait3A_156 = arith.constant 0 : i32
    %dma_wait3A_157 = tpu.memref_slice %arg4[%add3A_109, %dma_wait3A_156] : memref<8192x2048xf32, #tpu.memory_space<hbm>> -> memref<8x2048xf32, #tpu.memory_space<hbm>>
    tpu.wait_dma2 semaphore(%arg15 : memref<!tpu.dma_semaphore, #tpu.memory_space<semaphore_mem>>) src(%arg7 : memref<8x2048xf32, #tpu.memory_space<vmem>>) dst(%dma_wait3A_157 : memref<8x2048xf32, #tpu.memory_space<hbm>>)
    %dma_start3A_158 = arith.constant 72 : i32
    %dma_start3A_159 = tpu.memref_slice %arg5[%dma_start3A_158] : memref<256xi32, #tpu.memory_space<vmem>> -> memref<8xi32, #tpu.memory_space<vmem>>
    %dma_start3A_160 = arith.constant 0 : i32
    %dma_start3A_161 = arith.constant 0 : i32
    %dma_start3A_162 = tpu.memref_slice %arg2[%dma_start3A_160, %dma_start3A_161] : memref<8192x2048xf32, #tpu.memory_space<hbm>> -> memref<8192x2048xf32, #tpu.memory_space<hbm>>
    tpu.enqueue_indirect_dma source(%dma_start3A_162 : memref<8192x2048xf32, #tpu.memory_space<hbm>>) target(%arg7 : memref<8x2048xf32, #tpu.memory_space<vmem>>) offsets(%dma_start3A_159 : memref<8xi32, #tpu.memory_space<vmem>>) semaphore(%arg11 : memref<!tpu.dma_semaphore, #tpu.memory_space<semaphore_mem>>)
    %dma_wait3A_163 = arith.constant 64 : i32
    %dma_wait3A_164 = tpu.memref_slice %arg5[%dma_wait3A_163] : memref<256xi32, #tpu.memory_space<vmem>> -> memref<8xi32, #tpu.memory_space<vmem>>
    %dma_wait3A_165 = arith.constant 0 : i32
    %dma_wait3A_166 = arith.constant 0 : i32
    %dma_wait3A_167 = tpu.memref_slice %arg2[%dma_wait3A_165, %dma_wait3A_166] : memref<8192x2048xf32, #tpu.memory_space<hbm>> -> memref<8192x2048xf32, #tpu.memory_space<hbm>>
    tpu.wait_indirect_dma semaphore(%arg10 : memref<!tpu.dma_semaphore, #tpu.memory_space<semaphore_mem>>) src(%dma_wait3A_167 : memref<8192x2048xf32, #tpu.memory_space<hbm>>) dst(%arg6 : memref<8x2048xf32, #tpu.memory_space<vmem>>)
    %add3A_168 = arith.constant 64 : i32
    %add3A_169 = arith.addi %mul3A_2, %add3A_168 : i32
    %dma_start3A_170 = arith.constant 0 : i32
    %dma_start3A_171 = tpu.memref_slice %arg4[%add3A_169, %dma_start3A_170] : memref<8192x2048xf32, #tpu.memory_space<hbm>> -> memref<8x2048xf32, #tpu.memory_space<hbm>>
    %dma_start3A_172 = arith.constant 0 : i32
    %dma_start3A_173 = tpu.memref_slice %arg4[%add3A_169, %dma_start3A_172] : memref<8192x2048xf32, #tpu.memory_space<hbm>> -> memref<8x2048xf32, #tpu.memory_space<hbm>>
    tpu.enqueue_dma source(%arg6 : memref<8x2048xf32, #tpu.memory_space<vmem>>) target(%dma_start3A_173 : memref<8x2048xf32, #tpu.memory_space<hbm>>) target_semaphore(%arg14 : memref<!tpu.dma_semaphore, #tpu.memory_space<semaphore_mem>>)
    %dma_wait3A_174 = arith.constant 0 : i32
    %dma_wait3A_175 = tpu.memref_slice %arg4[%add3A_129, %dma_wait3A_174] : memref<8192x2048xf32, #tpu.memory_space<hbm>> -> memref<8x2048xf32, #tpu.memory_space<hbm>>
    %dma_wait3A_176 = arith.constant 0 : i32
    %dma_wait3A_177 = tpu.memref_slice %arg4[%add3A_129, %dma_wait3A_176] : memref<8192x2048xf32, #tpu.memory_space<hbm>> -> memref<8x2048xf32, #tpu.memory_space<hbm>>
    tpu.wait_dma2 semaphore(%arg16 : memref<!tpu.dma_semaphore, #tpu.memory_space<semaphore_mem>>) src(%arg8 : memref<8x2048xf32, #tpu.memory_space<vmem>>) dst(%dma_wait3A_177 : memref<8x2048xf32, #tpu.memory_space<hbm>>)
    %dma_start3A_178 = arith.constant 80 : i32
    %dma_start3A_179 = tpu.memref_slice %arg5[%dma_start3A_178] : memref<256xi32, #tpu.memory_space<vmem>> -> memref<8xi32, #tpu.memory_space<vmem>>
    %dma_start3A_180 = arith.constant 0 : i32
    %dma_start3A_181 = arith.constant 0 : i32
    %dma_start3A_182 = tpu.memref_slice %arg2[%dma_start3A_180, %dma_start3A_181] : memref<8192x2048xf32, #tpu.memory_space<hbm>> -> memref<8192x2048xf32, #tpu.memory_space<hbm>>
    tpu.enqueue_indirect_dma source(%dma_start3A_182 : memref<8192x2048xf32, #tpu.memory_space<hbm>>) target(%arg8 : memref<8x2048xf32, #tpu.memory_space<vmem>>) offsets(%dma_start3A_179 : memref<8xi32, #tpu.memory_space<vmem>>) semaphore(%arg12 : memref<!tpu.dma_semaphore, #tpu.memory_space<semaphore_mem>>)
    %dma_wait3A_183 = arith.constant 72 : i32
    %dma_wait3A_184 = tpu.memref_slice %arg5[%dma_wait3A_183] : memref<256xi32, #tpu.memory_space<vmem>> -> memref<8xi32, #tpu.memory_space<vmem>>
    %dma_wait3A_185 = arith.constant 0 : i32
    %dma_wait3A_186 = arith.constant 0 : i32
    %dma_wait3A_187 = tpu.memref_slice %arg2[%dma_wait3A_185, %dma_wait3A_186] : memref<8192x2048xf32, #tpu.memory_space<hbm>> -> memref<8192x2048xf32, #tpu.memory_space<hbm>>
    tpu.wait_indirect_dma semaphore(%arg11 : memref<!tpu.dma_semaphore, #tpu.memory_space<semaphore_mem>>) src(%dma_wait3A_187 : memref<8192x2048xf32, #tpu.memory_space<hbm>>) dst(%arg7 : memref<8x2048xf32, #tpu.memory_space<vmem>>)
    %add3A_188 = arith.constant 72 : i32
    %add3A_189 = arith.addi %mul3A_2, %add3A_188 : i32
    %dma_start3A_190 = arith.constant 0 : i32
    %dma_start3A_191 = tpu.memref_slice %arg4[%add3A_189, %dma_start3A_190] : memref<8192x2048xf32, #tpu.memory_space<hbm>> -> memref<8x2048xf32, #tpu.memory_space<hbm>>
    %dma_start3A_192 = arith.constant 0 : i32
    %dma_start3A_193 = tpu.memref_slice %arg4[%add3A_189, %dma_start3A_192] : memref<8192x2048xf32, #tpu.memory_space<hbm>> -> memref<8x2048xf32, #tpu.memory_space<hbm>>
    tpu.enqueue_dma source(%arg7 : memref<8x2048xf32, #tpu.memory_space<vmem>>) target(%dma_start3A_193 : memref<8x2048xf32, #tpu.memory_space<hbm>>) target_semaphore(%arg15 : memref<!tpu.dma_semaphore, #tpu.memory_space<semaphore_mem>>)
    %dma_wait3A_194 = arith.constant 0 : i32
    %dma_wait3A_195 = tpu.memref_slice %arg4[%add3A_149, %dma_wait3A_194] : memref<8192x2048xf32, #tpu.memory_space<hbm>> -> memref<8x2048xf32, #tpu.memory_space<hbm>>
    %dma_wait3A_196 = arith.constant 0 : i32
    %dma_wait3A_197 = tpu.memref_slice %arg4[%add3A_149, %dma_wait3A_196] : memref<8192x2048xf32, #tpu.memory_space<hbm>> -> memref<8x2048xf32, #tpu.memory_space<hbm>>
    tpu.wait_dma2 semaphore(%arg17 : memref<!tpu.dma_semaphore, #tpu.memory_space<semaphore_mem>>) src(%arg9 : memref<8x2048xf32, #tpu.memory_space<vmem>>) dst(%dma_wait3A_197 : memref<8x2048xf32, #tpu.memory_space<hbm>>)
    %dma_start3A_198 = arith.constant 88 : i32
    %dma_start3A_199 = tpu.memref_slice %arg5[%dma_start3A_198] : memref<256xi32, #tpu.memory_space<vmem>> -> memref<8xi32, #tpu.memory_space<vmem>>
    %dma_start3A_200 = arith.constant 0 : i32
    %dma_start3A_201 = arith.constant 0 : i32
    %dma_start3A_202 = tpu.memref_slice %arg2[%dma_start3A_200, %dma_start3A_201] : memref<8192x2048xf32, #tpu.memory_space<hbm>> -> memref<8192x2048xf32, #tpu.memory_space<hbm>>
    tpu.enqueue_indirect_dma source(%dma_start3A_202 : memref<8192x2048xf32, #tpu.memory_space<hbm>>) target(%arg9 : memref<8x2048xf32, #tpu.memory_space<vmem>>) offsets(%dma_start3A_199 : memref<8xi32, #tpu.memory_space<vmem>>) semaphore(%arg13 : memref<!tpu.dma_semaphore, #tpu.memory_space<semaphore_mem>>)
    %dma_wait3A_203 = arith.constant 80 : i32
    %dma_wait3A_204 = tpu.memref_slice %arg5[%dma_wait3A_203] : memref<256xi32, #tpu.memory_space<vmem>> -> memref<8xi32, #tpu.memory_space<vmem>>
    %dma_wait3A_205 = arith.constant 0 : i32
    %dma_wait3A_206 = arith.constant 0 : i32
    %dma_wait3A_207 = tpu.memref_slice %arg2[%dma_wait3A_205, %dma_wait3A_206] : memref<8192x2048xf32, #tpu.memory_space<hbm>> -> memref<8192x2048xf32, #tpu.memory_space<hbm>>
    tpu.wait_indirect_dma semaphore(%arg12 : memref<!tpu.dma_semaphore, #tpu.memory_space<semaphore_mem>>) src(%dma_wait3A_207 : memref<8192x2048xf32, #tpu.memory_space<hbm>>) dst(%arg8 : memref<8x2048xf32, #tpu.memory_space<vmem>>)
    %add3A_208 = arith.constant 80 : i32
    %add3A_209 = arith.addi %mul3A_2, %add3A_208 : i32
    %dma_start3A_210 = arith.constant 0 : i32
    %dma_start3A_211 = tpu.memref_slice %arg4[%add3A_209, %dma_start3A_210] : memref<8192x2048xf32, #tpu.memory_space<hbm>> -> memref<8x2048xf32, #tpu.memory_space<hbm>>
    %dma_start3A_212 = arith.constant 0 : i32
    %dma_start3A_213 = tpu.memref_slice %arg4[%add3A_209, %dma_start3A_212] : memref<8192x2048xf32, #tpu.memory_space<hbm>> -> memref<8x2048xf32, #tpu.memory_space<hbm>>
    tpu.enqueue_dma source(%arg8 : memref<8x2048xf32, #tpu.memory_space<vmem>>) target(%dma_start3A_213 : memref<8x2048xf32, #tpu.memory_space<hbm>>) target_semaphore(%arg16 : memref<!tpu.dma_semaphore, #tpu.memory_space<semaphore_mem>>)
    %dma_wait3A_214 = arith.constant 0 : i32
    %dma_wait3A_215 = tpu.memref_slice %arg4[%add3A_169, %dma_wait3A_214] : memref<8192x2048xf32, #tpu.memory_space<hbm>> -> memref<8x2048xf32, #tpu.memory_space<hbm>>
    %dma_wait3A_216 = arith.constant 0 : i32
    %dma_wait3A_217 = tpu.memref_slice %arg4[%add3A_169, %dma_wait3A_216] : memref<8192x2048xf32, #tpu.memory_space<hbm>> -> memref<8x2048xf32, #tpu.memory_space<hbm>>
    tpu.wait_dma2 semaphore(%arg14 : memref<!tpu.dma_semaphore, #tpu.memory_space<semaphore_mem>>) src(%arg6 : memref<8x2048xf32, #tpu.memory_space<vmem>>) dst(%dma_wait3A_217 : memref<8x2048xf32, #tpu.memory_space<hbm>>)
    %dma_start3A_218 = arith.constant 96 : i32
    %dma_start3A_219 = tpu.memref_slice %arg5[%dma_start3A_218] : memref<256xi32, #tpu.memory_space<vmem>> -> memref<8xi32, #tpu.memory_space<vmem>>
    %dma_start3A_220 = arith.constant 0 : i32
    %dma_start3A_221 = arith.constant 0 : i32
    %dma_start3A_222 = tpu.memref_slice %arg2[%dma_start3A_220, %dma_start3A_221] : memref<8192x2048xf32, #tpu.memory_space<hbm>> -> memref<8192x2048xf32, #tpu.memory_space<hbm>>
    tpu.enqueue_indirect_dma source(%dma_start3A_222 : memref<8192x2048xf32, #tpu.memory_space<hbm>>) target(%arg6 : memref<8x2048xf32, #tpu.memory_space<vmem>>) offsets(%dma_start3A_219 : memref<8xi32, #tpu.memory_space<vmem>>) semaphore(%arg10 : memref<!tpu.dma_semaphore, #tpu.memory_space<semaphore_mem>>)
    %dma_wait3A_223 = arith.constant 88 : i32
    %dma_wait3A_224 = tpu.memref_slice %arg5[%dma_wait3A_223] : memref<256xi32, #tpu.memory_space<vmem>> -> memref<8xi32, #tpu.memory_space<vmem>>
    %dma_wait3A_225 = arith.constant 0 : i32
    %dma_wait3A_226 = arith.constant 0 : i32
    %dma_wait3A_227 = tpu.memref_slice %arg2[%dma_wait3A_225, %dma_wait3A_226] : memref<8192x2048xf32, #tpu.memory_space<hbm>> -> memref<8192x2048xf32, #tpu.memory_space<hbm>>
    tpu.wait_indirect_dma semaphore(%arg13 : memref<!tpu.dma_semaphore, #tpu.memory_space<semaphore_mem>>) src(%dma_wait3A_227 : memref<8192x2048xf32, #tpu.memory_space<hbm>>) dst(%arg9 : memref<8x2048xf32, #tpu.memory_space<vmem>>)
    %add3A_228 = arith.constant 88 : i32
    %add3A_229 = arith.addi %mul3A_2, %add3A_228 : i32
    %dma_start3A_230 = arith.constant 0 : i32
    %dma_start3A_231 = tpu.memref_slice %arg4[%add3A_229, %dma_start3A_230] : memref<8192x2048xf32, #tpu.memory_space<hbm>> -> memref<8x2048xf32, #tpu.memory_space<hbm>>
    %dma_start3A_232 = arith.constant 0 : i32
    %dma_start3A_233 = tpu.memref_slice %arg4[%add3A_229, %dma_start3A_232] : memref<8192x2048xf32, #tpu.memory_space<hbm>> -> memref<8x2048xf32, #tpu.memory_space<hbm>>
    tpu.enqueue_dma source(%arg9 : memref<8x2048xf32, #tpu.memory_space<vmem>>) target(%dma_start3A_233 : memref<8x2048xf32, #tpu.memory_space<hbm>>) target_semaphore(%arg17 : memref<!tpu.dma_semaphore, #tpu.memory_space<semaphore_mem>>)
    %dma_wait3A_234 = arith.constant 0 : i32
    %dma_wait3A_235 = tpu.memref_slice %arg4[%add3A_189, %dma_wait3A_234] : memref<8192x2048xf32, #tpu.memory_space<hbm>> -> memref<8x2048xf32, #tpu.memory_space<hbm>>
    %dma_wait3A_236 = arith.constant 0 : i32
    %dma_wait3A_237 = tpu.memref_slice %arg4[%add3A_189, %dma_wait3A_236] : memref<8192x2048xf32, #tpu.memory_space<hbm>> -> memref<8x2048xf32, #tpu.memory_space<hbm>>
    tpu.wait_dma2 semaphore(%arg15 : memref<!tpu.dma_semaphore, #tpu.memory_space<semaphore_mem>>) src(%arg7 : memref<8x2048xf32, #tpu.memory_space<vmem>>) dst(%dma_wait3A_237 : memref<8x2048xf32, #tpu.memory_space<hbm>>)
    %dma_start3A_238 = arith.constant 104 : i32
    %dma_start3A_239 = tpu.memref_slice %arg5[%dma_start3A_238] : memref<256xi32, #tpu.memory_space<vmem>> -> memref<8xi32, #tpu.memory_space<vmem>>
    %dma_start3A_240 = arith.constant 0 : i32
    %dma_start3A_241 = arith.constant 0 : i32
    %dma_start3A_242 = tpu.memref_slice %arg2[%dma_start3A_240, %dma_start3A_241] : memref<8192x2048xf32, #tpu.memory_space<hbm>> -> memref<8192x2048xf32, #tpu.memory_space<hbm>>
    tpu.enqueue_indirect_dma source(%dma_start3A_242 : memref<8192x2048xf32, #tpu.memory_space<hbm>>) target(%arg7 : memref<8x2048xf32, #tpu.memory_space<vmem>>) offsets(%dma_start3A_239 : memref<8xi32, #tpu.memory_space<vmem>>) semaphore(%arg11 : memref<!tpu.dma_semaphore, #tpu.memory_space<semaphore_mem>>)
    %dma_wait3A_243 = arith.constant 96 : i32
    %dma_wait3A_244 = tpu.memref_slice %arg5[%dma_wait3A_243] : memref<256xi32, #tpu.memory_space<vmem>> -> memref<8xi32, #tpu.memory_space<vmem>>
    %dma_wait3A_245 = arith.constant 0 : i32
    %dma_wait3A_246 = arith.constant 0 : i32
    %dma_wait3A_247 = tpu.memref_slice %arg2[%dma_wait3A_245, %dma_wait3A_246] : memref<8192x2048xf32, #tpu.memory_space<hbm>> -> memref<8192x2048xf32, #tpu.memory_space<hbm>>
    tpu.wait_indirect_dma semaphore(%arg10 : memref<!tpu.dma_semaphore, #tpu.memory_space<semaphore_mem>>) src(%dma_wait3A_247 : memref<8192x2048xf32, #tpu.memory_space<hbm>>) dst(%arg6 : memref<8x2048xf32, #tpu.memory_space<vmem>>)
    %add3A_248 = arith.constant 96 : i32
    %add3A_249 = arith.addi %mul3A_2, %add3A_248 : i32
    %dma_start3A_250 = arith.constant 0 : i32
    %dma_start3A_251 = tpu.memref_slice %arg4[%add3A_249, %dma_start3A_250] : memref<8192x2048xf32, #tpu.memory_space<hbm>> -> memref<8x2048xf32, #tpu.memory_space<hbm>>
    %dma_start3A_252 = arith.constant 0 : i32
    %dma_start3A_253 = tpu.memref_slice %arg4[%add3A_249, %dma_start3A_252] : memref<8192x2048xf32, #tpu.memory_space<hbm>> -> memref<8x2048xf32, #tpu.memory_space<hbm>>
    tpu.enqueue_dma source(%arg6 : memref<8x2048xf32, #tpu.memory_space<vmem>>) target(%dma_start3A_253 : memref<8x2048xf32, #tpu.memory_space<hbm>>) target_semaphore(%arg14 : memref<!tpu.dma_semaphore, #tpu.memory_space<semaphore_mem>>)
    %dma_wait3A_254 = arith.constant 0 : i32
    %dma_wait3A_255 = tpu.memref_slice %arg4[%add3A_209, %dma_wait3A_254] : memref<8192x2048xf32, #tpu.memory_space<hbm>> -> memref<8x2048xf32, #tpu.memory_space<hbm>>
    %dma_wait3A_256 = arith.constant 0 : i32
    %dma_wait3A_257 = tpu.memref_slice %arg4[%add3A_209, %dma_wait3A_256] : memref<8192x2048xf32, #tpu.memory_space<hbm>> -> memref<8x2048xf32, #tpu.memory_space<hbm>>
    tpu.wait_dma2 semaphore(%arg16 : memref<!tpu.dma_semaphore, #tpu.memory_space<semaphore_mem>>) src(%arg8 : memref<8x2048xf32, #tpu.memory_space<vmem>>) dst(%dma_wait3A_257 : memref<8x2048xf32, #tpu.memory_space<hbm>>)
    %dma_start3A_258 = arith.constant 112 : i32
    %dma_start3A_259 = tpu.memref_slice %arg5[%dma_start3A_258] : memref<256xi32, #tpu.memory_space<vmem>> -> memref<8xi32, #tpu.memory_space<vmem>>
    %dma_start3A_260 = arith.constant 0 : i32
    %dma_start3A_261 = arith.constant 0 : i32
    %dma_start3A_262 = tpu.memref_slice %arg2[%dma_start3A_260, %dma_start3A_261] : memref<8192x2048xf32, #tpu.memory_space<hbm>> -> memref<8192x2048xf32, #tpu.memory_space<hbm>>
    tpu.enqueue_indirect_dma source(%dma_start3A_262 : memref<8192x2048xf32, #tpu.memory_space<hbm>>) target(%arg8 : memref<8x2048xf32, #tpu.memory_space<vmem>>) offsets(%dma_start3A_259 : memref<8xi32, #tpu.memory_space<vmem>>) semaphore(%arg12 : memref<!tpu.dma_semaphore, #tpu.memory_space<semaphore_mem>>)
    %dma_wait3A_263 = arith.constant 104 : i32
    %dma_wait3A_264 = tpu.memref_slice %arg5[%dma_wait3A_263] : memref<256xi32, #tpu.memory_space<vmem>> -> memref<8xi32, #tpu.memory_space<vmem>>
    %dma_wait3A_265 = arith.constant 0 : i32
    %dma_wait3A_266 = arith.constant 0 : i32
    %dma_wait3A_267 = tpu.memref_slice %arg2[%dma_wait3A_265, %dma_wait3A_266] : memref<8192x2048xf32, #tpu.memory_space<hbm>> -> memref<8192x2048xf32, #tpu.memory_space<hbm>>
    tpu.wait_indirect_dma semaphore(%arg11 : memref<!tpu.dma_semaphore, #tpu.memory_space<semaphore_mem>>) src(%dma_wait3A_267 : memref<8192x2048xf32, #tpu.memory_space<hbm>>) dst(%arg7 : memref<8x2048xf32, #tpu.memory_space<vmem>>)
    %add3A_268 = arith.constant 104 : i32
    %add3A_269 = arith.addi %mul3A_2, %add3A_268 : i32
    %dma_start3A_270 = arith.constant 0 : i32
    %dma_start3A_271 = tpu.memref_slice %arg4[%add3A_269, %dma_start3A_270] : memref<8192x2048xf32, #tpu.memory_space<hbm>> -> memref<8x2048xf32, #tpu.memory_space<hbm>>
    %dma_start3A_272 = arith.constant 0 : i32
    %dma_start3A_273 = tpu.memref_slice %arg4[%add3A_269, %dma_start3A_272] : memref<8192x2048xf32, #tpu.memory_space<hbm>> -> memref<8x2048xf32, #tpu.memory_space<hbm>>
    tpu.enqueue_dma source(%arg7 : memref<8x2048xf32, #tpu.memory_space<vmem>>) target(%dma_start3A_273 : memref<8x2048xf32, #tpu.memory_space<hbm>>) target_semaphore(%arg15 : memref<!tpu.dma_semaphore, #tpu.memory_space<semaphore_mem>>)
    %dma_wait3A_274 = arith.constant 0 : i32
    %dma_wait3A_275 = tpu.memref_slice %arg4[%add3A_229, %dma_wait3A_274] : memref<8192x2048xf32, #tpu.memory_space<hbm>> -> memref<8x2048xf32, #tpu.memory_space<hbm>>
    %dma_wait3A_276 = arith.constant 0 : i32
    %dma_wait3A_277 = tpu.memref_slice %arg4[%add3A_229, %dma_wait3A_276] : memref<8192x2048xf32, #tpu.memory_space<hbm>> -> memref<8x2048xf32, #tpu.memory_space<hbm>>
    tpu.wait_dma2 semaphore(%arg17 : memref<!tpu.dma_semaphore, #tpu.memory_space<semaphore_mem>>) src(%arg9 : memref<8x2048xf32, #tpu.memory_space<vmem>>) dst(%dma_wait3A_277 : memref<8x2048xf32, #tpu.memory_space<hbm>>)
    %dma_start3A_278 = arith.constant 120 : i32
    %dma_start3A_279 = tpu.memref_slice %arg5[%dma_start3A_278] : memref<256xi32, #tpu.memory_space<vmem>> -> memref<8xi32, #tpu.memory_space<vmem>>
    %dma_start3A_280 = arith.constant 0 : i32
    %dma_start3A_281 = arith.constant 0 : i32
    %dma_start3A_282 = tpu.memref_slice %arg2[%dma_start3A_280, %dma_start3A_281] : memref<8192x2048xf32, #tpu.memory_space<hbm>> -> memref<8192x2048xf32, #tpu.memory_space<hbm>>
    tpu.enqueue_indirect_dma source(%dma_start3A_282 : memref<8192x2048xf32, #tpu.memory_space<hbm>>) target(%arg9 : memref<8x2048xf32, #tpu.memory_space<vmem>>) offsets(%dma_start3A_279 : memref<8xi32, #tpu.memory_space<vmem>>) semaphore(%arg13 : memref<!tpu.dma_semaphore, #tpu.memory_space<semaphore_mem>>)
    %dma_wait3A_283 = arith.constant 112 : i32
    %dma_wait3A_284 = tpu.memref_slice %arg5[%dma_wait3A_283] : memref<256xi32, #tpu.memory_space<vmem>> -> memref<8xi32, #tpu.memory_space<vmem>>
    %dma_wait3A_285 = arith.constant 0 : i32
    %dma_wait3A_286 = arith.constant 0 : i32
    %dma_wait3A_287 = tpu.memref_slice %arg2[%dma_wait3A_285, %dma_wait3A_286] : memref<8192x2048xf32, #tpu.memory_space<hbm>> -> memref<8192x2048xf32, #tpu.memory_space<hbm>>
    tpu.wait_indirect_dma semaphore(%arg12 : memref<!tpu.dma_semaphore, #tpu.memory_space<semaphore_mem>>) src(%dma_wait3A_287 : memref<8192x2048xf32, #tpu.memory_space<hbm>>) dst(%arg8 : memref<8x2048xf32, #tpu.memory_space<vmem>>)
    %add3A_288 = arith.constant 112 : i32
    %add3A_289 = arith.addi %mul3A_2, %add3A_288 : i32
    %dma_start3A_290 = arith.constant 0 : i32
    %dma_start3A_291 = tpu.memref_slice %arg4[%add3A_289, %dma_start3A_290] : memref<8192x2048xf32, #tpu.memory_space<hbm>> -> memref<8x2048xf32, #tpu.memory_space<hbm>>
    %dma_start3A_292 = arith.constant 0 : i32
    %dma_start3A_293 = tpu.memref_slice %arg4[%add3A_289, %dma_start3A_292] : memref<8192x2048xf32, #tpu.memory_space<hbm>> -> memref<8x2048xf32, #tpu.memory_space<hbm>>
    tpu.enqueue_dma source(%arg8 : memref<8x2048xf32, #tpu.memory_space<vmem>>) target(%dma_start3A_293 : memref<8x2048xf32, #tpu.memory_space<hbm>>) target_semaphore(%arg16 : memref<!tpu.dma_semaphore, #tpu.memory_space<semaphore_mem>>)
    %dma_wait3A_294 = arith.constant 0 : i32
    %dma_wait3A_295 = tpu.memref_slice %arg4[%add3A_249, %dma_wait3A_294] : memref<8192x2048xf32, #tpu.memory_space<hbm>> -> memref<8x2048xf32, #tpu.memory_space<hbm>>
    %dma_wait3A_296 = arith.constant 0 : i32
    %dma_wait3A_297 = tpu.memref_slice %arg4[%add3A_249, %dma_wait3A_296] : memref<8192x2048xf32, #tpu.memory_space<hbm>> -> memref<8x2048xf32, #tpu.memory_space<hbm>>
    tpu.wait_dma2 semaphore(%arg14 : memref<!tpu.dma_semaphore, #tpu.memory_space<semaphore_mem>>) src(%arg6 : memref<8x2048xf32, #tpu.memory_space<vmem>>) dst(%dma_wait3A_297 : memref<8x2048xf32, #tpu.memory_space<hbm>>)
    %dma_start3A_298 = arith.constant 128 : i32
    %dma_start3A_299 = tpu.memref_slice %arg5[%dma_start3A_298] : memref<256xi32, #tpu.memory_space<vmem>> -> memref<8xi32, #tpu.memory_space<vmem>>
    %dma_start3A_300 = arith.constant 0 : i32
    %dma_start3A_301 = arith.constant 0 : i32
    %dma_start3A_302 = tpu.memref_slice %arg2[%dma_start3A_300, %dma_start3A_301] : memref<8192x2048xf32, #tpu.memory_space<hbm>> -> memref<8192x2048xf32, #tpu.memory_space<hbm>>
    tpu.enqueue_indirect_dma source(%dma_start3A_302 : memref<8192x2048xf32, #tpu.memory_space<hbm>>) target(%arg6 : memref<8x2048xf32, #tpu.memory_space<vmem>>) offsets(%dma_start3A_299 : memref<8xi32, #tpu.memory_space<vmem>>) semaphore(%arg10 : memref<!tpu.dma_semaphore, #tpu.memory_space<semaphore_mem>>)
    %dma_wait3A_303 = arith.constant 120 : i32
    %dma_wait3A_304 = tpu.memref_slice %arg5[%dma_wait3A_303] : memref<256xi32, #tpu.memory_space<vmem>> -> memref<8xi32, #tpu.memory_space<vmem>>
    %dma_wait3A_305 = arith.constant 0 : i32
    %dma_wait3A_306 = arith.constant 0 : i32
    %dma_wait3A_307 = tpu.memref_slice %arg2[%dma_wait3A_305, %dma_wait3A_306] : memref<8192x2048xf32, #tpu.memory_space<hbm>> -> memref<8192x2048xf32, #tpu.memory_space<hbm>>
    tpu.wait_indirect_dma semaphore(%arg13 : memref<!tpu.dma_semaphore, #tpu.memory_space<semaphore_mem>>) src(%dma_wait3A_307 : memref<8192x2048xf32, #tpu.memory_space<hbm>>) dst(%arg9 : memref<8x2048xf32, #tpu.memory_space<vmem>>)
    %add3A_308 = arith.constant 120 : i32
    %add3A_309 = arith.addi %mul3A_2, %add3A_308 : i32
    %dma_start3A_310 = arith.constant 0 : i32
    %dma_start3A_311 = tpu.memref_slice %arg4[%add3A_309, %dma_start3A_310] : memref<8192x2048xf32, #tpu.memory_space<hbm>> -> memref<8x2048xf32, #tpu.memory_space<hbm>>
    %dma_start3A_312 = arith.constant 0 : i32
    %dma_start3A_313 = tpu.memref_slice %arg4[%add3A_309, %dma_start3A_312] : memref<8192x2048xf32, #tpu.memory_space<hbm>> -> memref<8x2048xf32, #tpu.memory_space<hbm>>
    tpu.enqueue_dma source(%arg9 : memref<8x2048xf32, #tpu.memory_space<vmem>>) target(%dma_start3A_313 : memref<8x2048xf32, #tpu.memory_space<hbm>>) target_semaphore(%arg17 : memref<!tpu.dma_semaphore, #tpu.memory_space<semaphore_mem>>)
    %dma_wait3A_314 = arith.constant 0 : i32
    %dma_wait3A_315 = tpu.memref_slice %arg4[%add3A_269, %dma_wait3A_314] : memref<8192x2048xf32, #tpu.memory_space<hbm>> -> memref<8x2048xf32, #tpu.memory_space<hbm>>
    %dma_wait3A_316 = arith.constant 0 : i32
    %dma_wait3A_317 = tpu.memref_slice %arg4[%add3A_269, %dma_wait3A_316] : memref<8192x2048xf32, #tpu.memory_space<hbm>> -> memref<8x2048xf32, #tpu.memory_space<hbm>>
    tpu.wait_dma2 semaphore(%arg15 : memref<!tpu.dma_semaphore, #tpu.memory_space<semaphore_mem>>) src(%arg7 : memref<8x2048xf32, #tpu.memory_space<vmem>>) dst(%dma_wait3A_317 : memref<8x2048xf32, #tpu.memory_space<hbm>>)
    %dma_start3A_318 = arith.constant 136 : i32
    %dma_start3A_319 = tpu.memref_slice %arg5[%dma_start3A_318] : memref<256xi32, #tpu.memory_space<vmem>> -> memref<8xi32, #tpu.memory_space<vmem>>
    %dma_start3A_320 = arith.constant 0 : i32
    %dma_start3A_321 = arith.constant 0 : i32
    %dma_start3A_322 = tpu.memref_slice %arg2[%dma_start3A_320, %dma_start3A_321] : memref<8192x2048xf32, #tpu.memory_space<hbm>> -> memref<8192x2048xf32, #tpu.memory_space<hbm>>
    tpu.enqueue_indirect_dma source(%dma_start3A_322 : memref<8192x2048xf32, #tpu.memory_space<hbm>>) target(%arg7 : memref<8x2048xf32, #tpu.memory_space<vmem>>) offsets(%dma_start3A_319 : memref<8xi32, #tpu.memory_space<vmem>>) semaphore(%arg11 : memref<!tpu.dma_semaphore, #tpu.memory_space<semaphore_mem>>)
    %dma_wait3A_323 = arith.constant 128 : i32
    %dma_wait3A_324 = tpu.memref_slice %arg5[%dma_wait3A_323] : memref<256xi32, #tpu.memory_space<vmem>> -> memref<8xi32, #tpu.memory_space<vmem>>
    %dma_wait3A_325 = arith.constant 0 : i32
    %dma_wait3A_326 = arith.constant 0 : i32
    %dma_wait3A_327 = tpu.memref_slice %arg2[%dma_wait3A_325, %dma_wait3A_326] : memref<8192x2048xf32, #tpu.memory_space<hbm>> -> memref<8192x2048xf32, #tpu.memory_space<hbm>>
    tpu.wait_indirect_dma semaphore(%arg10 : memref<!tpu.dma_semaphore, #tpu.memory_space<semaphore_mem>>) src(%dma_wait3A_327 : memref<8192x2048xf32, #tpu.memory_space<hbm>>) dst(%arg6 : memref<8x2048xf32, #tpu.memory_space<vmem>>)
    %add3A_328 = arith.constant 128 : i32
    %add3A_329 = arith.addi %mul3A_2, %add3A_328 : i32
    %dma_start3A_330 = arith.constant 0 : i32
    %dma_start3A_331 = tpu.memref_slice %arg4[%add3A_329, %dma_start3A_330] : memref<8192x2048xf32, #tpu.memory_space<hbm>> -> memref<8x2048xf32, #tpu.memory_space<hbm>>
    %dma_start3A_332 = arith.constant 0 : i32
    %dma_start3A_333 = tpu.memref_slice %arg4[%add3A_329, %dma_start3A_332] : memref<8192x2048xf32, #tpu.memory_space<hbm>> -> memref<8x2048xf32, #tpu.memory_space<hbm>>
    tpu.enqueue_dma source(%arg6 : memref<8x2048xf32, #tpu.memory_space<vmem>>) target(%dma_start3A_333 : memref<8x2048xf32, #tpu.memory_space<hbm>>) target_semaphore(%arg14 : memref<!tpu.dma_semaphore, #tpu.memory_space<semaphore_mem>>)
    %dma_wait3A_334 = arith.constant 0 : i32
    %dma_wait3A_335 = tpu.memref_slice %arg4[%add3A_289, %dma_wait3A_334] : memref<8192x2048xf32, #tpu.memory_space<hbm>> -> memref<8x2048xf32, #tpu.memory_space<hbm>>
    %dma_wait3A_336 = arith.constant 0 : i32
    %dma_wait3A_337 = tpu.memref_slice %arg4[%add3A_289, %dma_wait3A_336] : memref<8192x2048xf32, #tpu.memory_space<hbm>> -> memref<8x2048xf32, #tpu.memory_space<hbm>>
    tpu.wait_dma2 semaphore(%arg16 : memref<!tpu.dma_semaphore, #tpu.memory_space<semaphore_mem>>) src(%arg8 : memref<8x2048xf32, #tpu.memory_space<vmem>>) dst(%dma_wait3A_337 : memref<8x2048xf32, #tpu.memory_space<hbm>>)
    %dma_start3A_338 = arith.constant 144 : i32
    %dma_start3A_339 = tpu.memref_slice %arg5[%dma_start3A_338] : memref<256xi32, #tpu.memory_space<vmem>> -> memref<8xi32, #tpu.memory_space<vmem>>
    %dma_start3A_340 = arith.constant 0 : i32
    %dma_start3A_341 = arith.constant 0 : i32
    %dma_start3A_342 = tpu.memref_slice %arg2[%dma_start3A_340, %dma_start3A_341] : memref<8192x2048xf32, #tpu.memory_space<hbm>> -> memref<8192x2048xf32, #tpu.memory_space<hbm>>
    tpu.enqueue_indirect_dma source(%dma_start3A_342 : memref<8192x2048xf32, #tpu.memory_space<hbm>>) target(%arg8 : memref<8x2048xf32, #tpu.memory_space<vmem>>) offsets(%dma_start3A_339 : memref<8xi32, #tpu.memory_space<vmem>>) semaphore(%arg12 : memref<!tpu.dma_semaphore, #tpu.memory_space<semaphore_mem>>)
    %dma_wait3A_343 = arith.constant 136 : i32
    %dma_wait3A_344 = tpu.memref_slice %arg5[%dma_wait3A_343] : memref<256xi32, #tpu.memory_space<vmem>> -> memref<8xi32, #tpu.memory_space<vmem>>
    %dma_wait3A_345 = arith.constant 0 : i32
    %dma_wait3A_346 = arith.constant 0 : i32
    %dma_wait3A_347 = tpu.memref_slice %arg2[%dma_wait3A_345, %dma_wait3A_346] : memref<8192x2048xf32, #tpu.memory_space<hbm>> -> memref<8192x2048xf32, #tpu.memory_space<hbm>>
    tpu.wait_indirect_dma semaphore(%arg11 : memref<!tpu.dma_semaphore, #tpu.memory_space<semaphore_mem>>) src(%dma_wait3A_347 : memref<8192x2048xf32, #tpu.memory_space<hbm>>) dst(%arg7 : memref<8x2048xf32, #tpu.memory_space<vmem>>)
    %add3A_348 = arith.constant 136 : i32
    %add3A_349 = arith.addi %mul3A_2, %add3A_348 : i32
    %dma_start3A_350 = arith.constant 0 : i32
    %dma_start3A_351 = tpu.memref_slice %arg4[%add3A_349, %dma_start3A_350] : memref<8192x2048xf32, #tpu.memory_space<hbm>> -> memref<8x2048xf32, #tpu.memory_space<hbm>>
    %dma_start3A_352 = arith.constant 0 : i32
    %dma_start3A_353 = tpu.memref_slice %arg4[%add3A_349, %dma_start3A_352] : memref<8192x2048xf32, #tpu.memory_space<hbm>> -> memref<8x2048xf32, #tpu.memory_space<hbm>>
    tpu.enqueue_dma source(%arg7 : memref<8x2048xf32, #tpu.memory_space<vmem>>) target(%dma_start3A_353 : memref<8x2048xf32, #tpu.memory_space<hbm>>) target_semaphore(%arg15 : memref<!tpu.dma_semaphore, #tpu.memory_space<semaphore_mem>>)
    %dma_wait3A_354 = arith.constant 0 : i32
    %dma_wait3A_355 = tpu.memref_slice %arg4[%add3A_309, %dma_wait3A_354] : memref<8192x2048xf32, #tpu.memory_space<hbm>> -> memref<8x2048xf32, #tpu.memory_space<hbm>>
    %dma_wait3A_356 = arith.constant 0 : i32
    %dma_wait3A_357 = tpu.memref_slice %arg4[%add3A_309, %dma_wait3A_356] : memref<8192x2048xf32, #tpu.memory_space<hbm>> -> memref<8x2048xf32, #tpu.memory_space<hbm>>
    tpu.wait_dma2 semaphore(%arg17 : memref<!tpu.dma_semaphore, #tpu.memory_space<semaphore_mem>>) src(%arg9 : memref<8x2048xf32, #tpu.memory_space<vmem>>) dst(%dma_wait3A_357 : memref<8x2048xf32, #tpu.memory_space<hbm>>)
    %dma_start3A_358 = arith.constant 152 : i32
    %dma_start3A_359 = tpu.memref_slice %arg5[%dma_start3A_358] : memref<256xi32, #tpu.memory_space<vmem>> -> memref<8xi32, #tpu.memory_space<vmem>>
    %dma_start3A_360 = arith.constant 0 : i32
    %dma_start3A_361 = arith.constant 0 : i32
    %dma_start3A_362 = tpu.memref_slice %arg2[%dma_start3A_360, %dma_start3A_361] : memref<8192x2048xf32, #tpu.memory_space<hbm>> -> memref<8192x2048xf32, #tpu.memory_space<hbm>>
    tpu.enqueue_indirect_dma source(%dma_start3A_362 : memref<8192x2048xf32, #tpu.memory_space<hbm>>) target(%arg9 : memref<8x2048xf32, #tpu.memory_space<vmem>>) offsets(%dma_start3A_359 : memref<8xi32, #tpu.memory_space<vmem>>) semaphore(%arg13 : memref<!tpu.dma_semaphore, #tpu.memory_space<semaphore_mem>>)
    %dma_wait3A_363 = arith.constant 144 : i32
    %dma_wait3A_364 = tpu.memref_slice %arg5[%dma_wait3A_363] : memref<256xi32, #tpu.memory_space<vmem>> -> memref<8xi32, #tpu.memory_space<vmem>>
    %dma_wait3A_365 = arith.constant 0 : i32
    %dma_wait3A_366 = arith.constant 0 : i32
    %dma_wait3A_367 = tpu.memref_slice %arg2[%dma_wait3A_365, %dma_wait3A_366] : memref<8192x2048xf32, #tpu.memory_space<hbm>> -> memref<8192x2048xf32, #tpu.memory_space<hbm>>
    tpu.wait_indirect_dma semaphore(%arg12 : memref<!tpu.dma_semaphore, #tpu.memory_space<semaphore_mem>>) src(%dma_wait3A_367 : memref<8192x2048xf32, #tpu.memory_space<hbm>>) dst(%arg8 : memref<8x2048xf32, #tpu.memory_space<vmem>>)
    %add3A_368 = arith.constant 144 : i32
    %add3A_369 = arith.addi %mul3A_2, %add3A_368 : i32
    %dma_start3A_370 = arith.constant 0 : i32
    %dma_start3A_371 = tpu.memref_slice %arg4[%add3A_369, %dma_start3A_370] : memref<8192x2048xf32, #tpu.memory_space<hbm>> -> memref<8x2048xf32, #tpu.memory_space<hbm>>
    %dma_start3A_372 = arith.constant 0 : i32
    %dma_start3A_373 = tpu.memref_slice %arg4[%add3A_369, %dma_start3A_372] : memref<8192x2048xf32, #tpu.memory_space<hbm>> -> memref<8x2048xf32, #tpu.memory_space<hbm>>
    tpu.enqueue_dma source(%arg8 : memref<8x2048xf32, #tpu.memory_space<vmem>>) target(%dma_start3A_373 : memref<8x2048xf32, #tpu.memory_space<hbm>>) target_semaphore(%arg16 : memref<!tpu.dma_semaphore, #tpu.memory_space<semaphore_mem>>)
    %dma_wait3A_374 = arith.constant 0 : i32
    %dma_wait3A_375 = tpu.memref_slice %arg4[%add3A_329, %dma_wait3A_374] : memref<8192x2048xf32, #tpu.memory_space<hbm>> -> memref<8x2048xf32, #tpu.memory_space<hbm>>
    %dma_wait3A_376 = arith.constant 0 : i32
    %dma_wait3A_377 = tpu.memref_slice %arg4[%add3A_329, %dma_wait3A_376] : memref<8192x2048xf32, #tpu.memory_space<hbm>> -> memref<8x2048xf32, #tpu.memory_space<hbm>>
    tpu.wait_dma2 semaphore(%arg14 : memref<!tpu.dma_semaphore, #tpu.memory_space<semaphore_mem>>) src(%arg6 : memref<8x2048xf32, #tpu.memory_space<vmem>>) dst(%dma_wait3A_377 : memref<8x2048xf32, #tpu.memory_space<hbm>>)
    %dma_start3A_378 = arith.constant 160 : i32
    %dma_start3A_379 = tpu.memref_slice %arg5[%dma_start3A_378] : memref<256xi32, #tpu.memory_space<vmem>> -> memref<8xi32, #tpu.memory_space<vmem>>
    %dma_start3A_380 = arith.constant 0 : i32
    %dma_start3A_381 = arith.constant 0 : i32
    %dma_start3A_382 = tpu.memref_slice %arg2[%dma_start3A_380, %dma_start3A_381] : memref<8192x2048xf32, #tpu.memory_space<hbm>> -> memref<8192x2048xf32, #tpu.memory_space<hbm>>
    tpu.enqueue_indirect_dma source(%dma_start3A_382 : memref<8192x2048xf32, #tpu.memory_space<hbm>>) target(%arg6 : memref<8x2048xf32, #tpu.memory_space<vmem>>) offsets(%dma_start3A_379 : memref<8xi32, #tpu.memory_space<vmem>>) semaphore(%arg10 : memref<!tpu.dma_semaphore, #tpu.memory_space<semaphore_mem>>)
    %dma_wait3A_383 = arith.constant 152 : i32
    %dma_wait3A_384 = tpu.memref_slice %arg5[%dma_wait3A_383] : memref<256xi32, #tpu.memory_space<vmem>> -> memref<8xi32, #tpu.memory_space<vmem>>
    %dma_wait3A_385 = arith.constant 0 : i32
    %dma_wait3A_386 = arith.constant 0 : i32
    %dma_wait3A_387 = tpu.memref_slice %arg2[%dma_wait3A_385, %dma_wait3A_386] : memref<8192x2048xf32, #tpu.memory_space<hbm>> -> memref<8192x2048xf32, #tpu.memory_space<hbm>>
    tpu.wait_indirect_dma semaphore(%arg13 : memref<!tpu.dma_semaphore, #tpu.memory_space<semaphore_mem>>) src(%dma_wait3A_387 : memref<8192x2048xf32, #tpu.memory_space<hbm>>) dst(%arg9 : memref<8x2048xf32, #tpu.memory_space<vmem>>)
    %add3A_388 = arith.constant 152 : i32
    %add3A_389 = arith.addi %mul3A_2, %add3A_388 : i32
    %dma_start3A_390 = arith.constant 0 : i32
    %dma_start3A_391 = tpu.memref_slice %arg4[%add3A_389, %dma_start3A_390] : memref<8192x2048xf32, #tpu.memory_space<hbm>> -> memref<8x2048xf32, #tpu.memory_space<hbm>>
    %dma_start3A_392 = arith.constant 0 : i32
    %dma_start3A_393 = tpu.memref_slice %arg4[%add3A_389, %dma_start3A_392] : memref<8192x2048xf32, #tpu.memory_space<hbm>> -> memref<8x2048xf32, #tpu.memory_space<hbm>>
    tpu.enqueue_dma source(%arg9 : memref<8x2048xf32, #tpu.memory_space<vmem>>) target(%dma_start3A_393 : memref<8x2048xf32, #tpu.memory_space<hbm>>) target_semaphore(%arg17 : memref<!tpu.dma_semaphore, #tpu.memory_space<semaphore_mem>>)
    %dma_wait3A_394 = arith.constant 0 : i32
    %dma_wait3A_395 = tpu.memref_slice %arg4[%add3A_349, %dma_wait3A_394] : memref<8192x2048xf32, #tpu.memory_space<hbm>> -> memref<8x2048xf32, #tpu.memory_space<hbm>>
    %dma_wait3A_396 = arith.constant 0 : i32
    %dma_wait3A_397 = tpu.memref_slice %arg4[%add3A_349, %dma_wait3A_396] : memref<8192x2048xf32, #tpu.memory_space<hbm>> -> memref<8x2048xf32, #tpu.memory_space<hbm>>
    tpu.wait_dma2 semaphore(%arg15 : memref<!tpu.dma_semaphore, #tpu.memory_space<semaphore_mem>>) src(%arg7 : memref<8x2048xf32, #tpu.memory_space<vmem>>) dst(%dma_wait3A_397 : memref<8x2048xf32, #tpu.memory_space<hbm>>)
    %dma_start3A_398 = arith.constant 168 : i32
    %dma_start3A_399 = tpu.memref_slice %arg5[%dma_start3A_398] : memref<256xi32, #tpu.memory_space<vmem>> -> memref<8xi32, #tpu.memory_space<vmem>>
    %dma_start3A_400 = arith.constant 0 : i32
    %dma_start3A_401 = arith.constant 0 : i32
    %dma_start3A_402 = tpu.memref_slice %arg2[%dma_start3A_400, %dma_start3A_401] : memref<8192x2048xf32, #tpu.memory_space<hbm>> -> memref<8192x2048xf32, #tpu.memory_space<hbm>>
    tpu.enqueue_indirect_dma source(%dma_start3A_402 : memref<8192x2048xf32, #tpu.memory_space<hbm>>) target(%arg7 : memref<8x2048xf32, #tpu.memory_space<vmem>>) offsets(%dma_start3A_399 : memref<8xi32, #tpu.memory_space<vmem>>) semaphore(%arg11 : memref<!tpu.dma_semaphore, #tpu.memory_space<semaphore_mem>>)
    %dma_wait3A_403 = arith.constant 160 : i32
    %dma_wait3A_404 = tpu.memref_slice %arg5[%dma_wait3A_403] : memref<256xi32, #tpu.memory_space<vmem>> -> memref<8xi32, #tpu.memory_space<vmem>>
    %dma_wait3A_405 = arith.constant 0 : i32
    %dma_wait3A_406 = arith.constant 0 : i32
    %dma_wait3A_407 = tpu.memref_slice %arg2[%dma_wait3A_405, %dma_wait3A_406] : memref<8192x2048xf32, #tpu.memory_space<hbm>> -> memref<8192x2048xf32, #tpu.memory_space<hbm>>
    tpu.wait_indirect_dma semaphore(%arg10 : memref<!tpu.dma_semaphore, #tpu.memory_space<semaphore_mem>>) src(%dma_wait3A_407 : memref<8192x2048xf32, #tpu.memory_space<hbm>>) dst(%arg6 : memref<8x2048xf32, #tpu.memory_space<vmem>>)
    %add3A_408 = arith.constant 160 : i32
    %add3A_409 = arith.addi %mul3A_2, %add3A_408 : i32
    %dma_start3A_410 = arith.constant 0 : i32
    %dma_start3A_411 = tpu.memref_slice %arg4[%add3A_409, %dma_start3A_410] : memref<8192x2048xf32, #tpu.memory_space<hbm>> -> memref<8x2048xf32, #tpu.memory_space<hbm>>
    %dma_start3A_412 = arith.constant 0 : i32
    %dma_start3A_413 = tpu.memref_slice %arg4[%add3A_409, %dma_start3A_412] : memref<8192x2048xf32, #tpu.memory_space<hbm>> -> memref<8x2048xf32, #tpu.memory_space<hbm>>
    tpu.enqueue_dma source(%arg6 : memref<8x2048xf32, #tpu.memory_space<vmem>>) target(%dma_start3A_413 : memref<8x2048xf32, #tpu.memory_space<hbm>>) target_semaphore(%arg14 : memref<!tpu.dma_semaphore, #tpu.memory_space<semaphore_mem>>)
    %dma_wait3A_414 = arith.constant 0 : i32
    %dma_wait3A_415 = tpu.memref_slice %arg4[%add3A_369, %dma_wait3A_414] : memref<8192x2048xf32, #tpu.memory_space<hbm>> -> memref<8x2048xf32, #tpu.memory_space<hbm>>
    %dma_wait3A_416 = arith.constant 0 : i32
    %dma_wait3A_417 = tpu.memref_slice %arg4[%add3A_369, %dma_wait3A_416] : memref<8192x2048xf32, #tpu.memory_space<hbm>> -> memref<8x2048xf32, #tpu.memory_space<hbm>>
    tpu.wait_dma2 semaphore(%arg16 : memref<!tpu.dma_semaphore, #tpu.memory_space<semaphore_mem>>) src(%arg8 : memref<8x2048xf32, #tpu.memory_space<vmem>>) dst(%dma_wait3A_417 : memref<8x2048xf32, #tpu.memory_space<hbm>>)
    %dma_start3A_418 = arith.constant 176 : i32
    %dma_start3A_419 = tpu.memref_slice %arg5[%dma_start3A_418] : memref<256xi32, #tpu.memory_space<vmem>> -> memref<8xi32, #tpu.memory_space<vmem>>
    %dma_start3A_420 = arith.constant 0 : i32
    %dma_start3A_421 = arith.constant 0 : i32
    %dma_start3A_422 = tpu.memref_slice %arg2[%dma_start3A_420, %dma_start3A_421] : memref<8192x2048xf32, #tpu.memory_space<hbm>> -> memref<8192x2048xf32, #tpu.memory_space<hbm>>
    tpu.enqueue_indirect_dma source(%dma_start3A_422 : memref<8192x2048xf32, #tpu.memory_space<hbm>>) target(%arg8 : memref<8x2048xf32, #tpu.memory_space<vmem>>) offsets(%dma_start3A_419 : memref<8xi32, #tpu.memory_space<vmem>>) semaphore(%arg12 : memref<!tpu.dma_semaphore, #tpu.memory_space<semaphore_mem>>)
    %dma_wait3A_423 = arith.constant 168 : i32
    %dma_wait3A_424 = tpu.memref_slice %arg5[%dma_wait3A_423] : memref<256xi32, #tpu.memory_space<vmem>> -> memref<8xi32, #tpu.memory_space<vmem>>
    %dma_wait3A_425 = arith.constant 0 : i32
    %dma_wait3A_426 = arith.constant 0 : i32
    %dma_wait3A_427 = tpu.memref_slice %arg2[%dma_wait3A_425, %dma_wait3A_426] : memref<8192x2048xf32, #tpu.memory_space<hbm>> -> memref<8192x2048xf32, #tpu.memory_space<hbm>>
    tpu.wait_indirect_dma semaphore(%arg11 : memref<!tpu.dma_semaphore, #tpu.memory_space<semaphore_mem>>) src(%dma_wait3A_427 : memref<8192x2048xf32, #tpu.memory_space<hbm>>) dst(%arg7 : memref<8x2048xf32, #tpu.memory_space<vmem>>)
    %add3A_428 = arith.constant 168 : i32
    %add3A_429 = arith.addi %mul3A_2, %add3A_428 : i32
    %dma_start3A_430 = arith.constant 0 : i32
    %dma_start3A_431 = tpu.memref_slice %arg4[%add3A_429, %dma_start3A_430] : memref<8192x2048xf32, #tpu.memory_space<hbm>> -> memref<8x2048xf32, #tpu.memory_space<hbm>>
    %dma_start3A_432 = arith.constant 0 : i32
    %dma_start3A_433 = tpu.memref_slice %arg4[%add3A_429, %dma_start3A_432] : memref<8192x2048xf32, #tpu.memory_space<hbm>> -> memref<8x2048xf32, #tpu.memory_space<hbm>>
    tpu.enqueue_dma source(%arg7 : memref<8x2048xf32, #tpu.memory_space<vmem>>) target(%dma_start3A_433 : memref<8x2048xf32, #tpu.memory_space<hbm>>) target_semaphore(%arg15 : memref<!tpu.dma_semaphore, #tpu.memory_space<semaphore_mem>>)
    %dma_wait3A_434 = arith.constant 0 : i32
    %dma_wait3A_435 = tpu.memref_slice %arg4[%add3A_389, %dma_wait3A_434] : memref<8192x2048xf32, #tpu.memory_space<hbm>> -> memref<8x2048xf32, #tpu.memory_space<hbm>>
    %dma_wait3A_436 = arith.constant 0 : i32
    %dma_wait3A_437 = tpu.memref_slice %arg4[%add3A_389, %dma_wait3A_436] : memref<8192x2048xf32, #tpu.memory_space<hbm>> -> memref<8x2048xf32, #tpu.memory_space<hbm>>
    tpu.wait_dma2 semaphore(%arg17 : memref<!tpu.dma_semaphore, #tpu.memory_space<semaphore_mem>>) src(%arg9 : memref<8x2048xf32, #tpu.memory_space<vmem>>) dst(%dma_wait3A_437 : memref<8x2048xf32, #tpu.memory_space<hbm>>)
    %dma_start3A_438 = arith.constant 184 : i32
    %dma_start3A_439 = tpu.memref_slice %arg5[%dma_start3A_438] : memref<256xi32, #tpu.memory_space<vmem>> -> memref<8xi32, #tpu.memory_space<vmem>>
    %dma_start3A_440 = arith.constant 0 : i32
    %dma_start3A_441 = arith.constant 0 : i32
    %dma_start3A_442 = tpu.memref_slice %arg2[%dma_start3A_440, %dma_start3A_441] : memref<8192x2048xf32, #tpu.memory_space<hbm>> -> memref<8192x2048xf32, #tpu.memory_space<hbm>>
    tpu.enqueue_indirect_dma source(%dma_start3A_442 : memref<8192x2048xf32, #tpu.memory_space<hbm>>) target(%arg9 : memref<8x2048xf32, #tpu.memory_space<vmem>>) offsets(%dma_start3A_439 : memref<8xi32, #tpu.memory_space<vmem>>) semaphore(%arg13 : memref<!tpu.dma_semaphore, #tpu.memory_space<semaphore_mem>>)
    %dma_wait3A_443 = arith.constant 176 : i32
    %dma_wait3A_444 = tpu.memref_slice %arg5[%dma_wait3A_443] : memref<256xi32, #tpu.memory_space<vmem>> -> memref<8xi32, #tpu.memory_space<vmem>>
    %dma_wait3A_445 = arith.constant 0 : i32
    %dma_wait3A_446 = arith.constant 0 : i32
    %dma_wait3A_447 = tpu.memref_slice %arg2[%dma_wait3A_445, %dma_wait3A_446] : memref<8192x2048xf32, #tpu.memory_space<hbm>> -> memref<8192x2048xf32, #tpu.memory_space<hbm>>
    tpu.wait_indirect_dma semaphore(%arg12 : memref<!tpu.dma_semaphore, #tpu.memory_space<semaphore_mem>>) src(%dma_wait3A_447 : memref<8192x2048xf32, #tpu.memory_space<hbm>>) dst(%arg8 : memref<8x2048xf32, #tpu.memory_space<vmem>>)
    %add3A_448 = arith.constant 176 : i32
    %add3A_449 = arith.addi %mul3A_2, %add3A_448 : i32
    %dma_start3A_450 = arith.constant 0 : i32
    %dma_start3A_451 = tpu.memref_slice %arg4[%add3A_449, %dma_start3A_450] : memref<8192x2048xf32, #tpu.memory_space<hbm>> -> memref<8x2048xf32, #tpu.memory_space<hbm>>
    %dma_start3A_452 = arith.constant 0 : i32
    %dma_start3A_453 = tpu.memref_slice %arg4[%add3A_449, %dma_start3A_452] : memref<8192x2048xf32, #tpu.memory_space<hbm>> -> memref<8x2048xf32, #tpu.memory_space<hbm>>
    tpu.enqueue_dma source(%arg8 : memref<8x2048xf32, #tpu.memory_space<vmem>>) target(%dma_start3A_453 : memref<8x2048xf32, #tpu.memory_space<hbm>>) target_semaphore(%arg16 : memref<!tpu.dma_semaphore, #tpu.memory_space<semaphore_mem>>)
    %dma_wait3A_454 = arith.constant 0 : i32
    %dma_wait3A_455 = tpu.memref_slice %arg4[%add3A_409, %dma_wait3A_454] : memref<8192x2048xf32, #tpu.memory_space<hbm>> -> memref<8x2048xf32, #tpu.memory_space<hbm>>
    %dma_wait3A_456 = arith.constant 0 : i32
    %dma_wait3A_457 = tpu.memref_slice %arg4[%add3A_409, %dma_wait3A_456] : memref<8192x2048xf32, #tpu.memory_space<hbm>> -> memref<8x2048xf32, #tpu.memory_space<hbm>>
    tpu.wait_dma2 semaphore(%arg14 : memref<!tpu.dma_semaphore, #tpu.memory_space<semaphore_mem>>) src(%arg6 : memref<8x2048xf32, #tpu.memory_space<vmem>>) dst(%dma_wait3A_457 : memref<8x2048xf32, #tpu.memory_space<hbm>>)
    %dma_start3A_458 = arith.constant 192 : i32
    %dma_start3A_459 = tpu.memref_slice %arg5[%dma_start3A_458] : memref<256xi32, #tpu.memory_space<vmem>> -> memref<8xi32, #tpu.memory_space<vmem>>
    %dma_start3A_460 = arith.constant 0 : i32
    %dma_start3A_461 = arith.constant 0 : i32
    %dma_start3A_462 = tpu.memref_slice %arg2[%dma_start3A_460, %dma_start3A_461] : memref<8192x2048xf32, #tpu.memory_space<hbm>> -> memref<8192x2048xf32, #tpu.memory_space<hbm>>
    tpu.enqueue_indirect_dma source(%dma_start3A_462 : memref<8192x2048xf32, #tpu.memory_space<hbm>>) target(%arg6 : memref<8x2048xf32, #tpu.memory_space<vmem>>) offsets(%dma_start3A_459 : memref<8xi32, #tpu.memory_space<vmem>>) semaphore(%arg10 : memref<!tpu.dma_semaphore, #tpu.memory_space<semaphore_mem>>)
    %dma_wait3A_463 = arith.constant 184 : i32
    %dma_wait3A_464 = tpu.memref_slice %arg5[%dma_wait3A_463] : memref<256xi32, #tpu.memory_space<vmem>> -> memref<8xi32, #tpu.memory_space<vmem>>
    %dma_wait3A_465 = arith.constant 0 : i32
    %dma_wait3A_466 = arith.constant 0 : i32
    %dma_wait3A_467 = tpu.memref_slice %arg2[%dma_wait3A_465, %dma_wait3A_466] : memref<8192x2048xf32, #tpu.memory_space<hbm>> -> memref<8192x2048xf32, #tpu.memory_space<hbm>>
    tpu.wait_indirect_dma semaphore(%arg13 : memref<!tpu.dma_semaphore, #tpu.memory_space<semaphore_mem>>) src(%dma_wait3A_467 : memref<8192x2048xf32, #tpu.memory_space<hbm>>) dst(%arg9 : memref<8x2048xf32, #tpu.memory_space<vmem>>)
    %add3A_468 = arith.constant 184 : i32
    %add3A_469 = arith.addi %mul3A_2, %add3A_468 : i32
    %dma_start3A_470 = arith.constant 0 : i32
    %dma_start3A_471 = tpu.memref_slice %arg4[%add3A_469, %dma_start3A_470] : memref<8192x2048xf32, #tpu.memory_space<hbm>> -> memref<8x2048xf32, #tpu.memory_space<hbm>>
    %dma_start3A_472 = arith.constant 0 : i32
    %dma_start3A_473 = tpu.memref_slice %arg4[%add3A_469, %dma_start3A_472] : memref<8192x2048xf32, #tpu.memory_space<hbm>> -> memref<8x2048xf32, #tpu.memory_space<hbm>>
    tpu.enqueue_dma source(%arg9 : memref<8x2048xf32, #tpu.memory_space<vmem>>) target(%dma_start3A_473 : memref<8x2048xf32, #tpu.memory_space<hbm>>) target_semaphore(%arg17 : memref<!tpu.dma_semaphore, #tpu.memory_space<semaphore_mem>>)
    %dma_wait3A_474 = arith.constant 0 : i32
    %dma_wait3A_475 = tpu.memref_slice %arg4[%add3A_429, %dma_wait3A_474] : memref<8192x2048xf32, #tpu.memory_space<hbm>> -> memref<8x2048xf32, #tpu.memory_space<hbm>>
    %dma_wait3A_476 = arith.constant 0 : i32
    %dma_wait3A_477 = tpu.memref_slice %arg4[%add3A_429, %dma_wait3A_476] : memref<8192x2048xf32, #tpu.memory_space<hbm>> -> memref<8x2048xf32, #tpu.memory_space<hbm>>
    tpu.wait_dma2 semaphore(%arg15 : memref<!tpu.dma_semaphore, #tpu.memory_space<semaphore_mem>>) src(%arg7 : memref<8x2048xf32, #tpu.memory_space<vmem>>) dst(%dma_wait3A_477 : memref<8x2048xf32, #tpu.memory_space<hbm>>)
    %dma_start3A_478 = arith.constant 200 : i32
    %dma_start3A_479 = tpu.memref_slice %arg5[%dma_start3A_478] : memref<256xi32, #tpu.memory_space<vmem>> -> memref<8xi32, #tpu.memory_space<vmem>>
    %dma_start3A_480 = arith.constant 0 : i32
    %dma_start3A_481 = arith.constant 0 : i32
    %dma_start3A_482 = tpu.memref_slice %arg2[%dma_start3A_480, %dma_start3A_481] : memref<8192x2048xf32, #tpu.memory_space<hbm>> -> memref<8192x2048xf32, #tpu.memory_space<hbm>>
    tpu.enqueue_indirect_dma source(%dma_start3A_482 : memref<8192x2048xf32, #tpu.memory_space<hbm>>) target(%arg7 : memref<8x2048xf32, #tpu.memory_space<vmem>>) offsets(%dma_start3A_479 : memref<8xi32, #tpu.memory_space<vmem>>) semaphore(%arg11 : memref<!tpu.dma_semaphore, #tpu.memory_space<semaphore_mem>>)
    %dma_wait3A_483 = arith.constant 192 : i32
    %dma_wait3A_484 = tpu.memref_slice %arg5[%dma_wait3A_483] : memref<256xi32, #tpu.memory_space<vmem>> -> memref<8xi32, #tpu.memory_space<vmem>>
    %dma_wait3A_485 = arith.constant 0 : i32
    %dma_wait3A_486 = arith.constant 0 : i32
    %dma_wait3A_487 = tpu.memref_slice %arg2[%dma_wait3A_485, %dma_wait3A_486] : memref<8192x2048xf32, #tpu.memory_space<hbm>> -> memref<8192x2048xf32, #tpu.memory_space<hbm>>
    tpu.wait_indirect_dma semaphore(%arg10 : memref<!tpu.dma_semaphore, #tpu.memory_space<semaphore_mem>>) src(%dma_wait3A_487 : memref<8192x2048xf32, #tpu.memory_space<hbm>>) dst(%arg6 : memref<8x2048xf32, #tpu.memory_space<vmem>>)
    %add3A_488 = arith.constant 192 : i32
    %add3A_489 = arith.addi %mul3A_2, %add3A_488 : i32
    %dma_start3A_490 = arith.constant 0 : i32
    %dma_start3A_491 = tpu.memref_slice %arg4[%add3A_489, %dma_start3A_490] : memref<8192x2048xf32, #tpu.memory_space<hbm>> -> memref<8x2048xf32, #tpu.memory_space<hbm>>
    %dma_start3A_492 = arith.constant 0 : i32
    %dma_start3A_493 = tpu.memref_slice %arg4[%add3A_489, %dma_start3A_492] : memref<8192x2048xf32, #tpu.memory_space<hbm>> -> memref<8x2048xf32, #tpu.memory_space<hbm>>
    tpu.enqueue_dma source(%arg6 : memref<8x2048xf32, #tpu.memory_space<vmem>>) target(%dma_start3A_493 : memref<8x2048xf32, #tpu.memory_space<hbm>>) target_semaphore(%arg14 : memref<!tpu.dma_semaphore, #tpu.memory_space<semaphore_mem>>)
    %dma_wait3A_494 = arith.constant 0 : i32
    %dma_wait3A_495 = tpu.memref_slice %arg4[%add3A_449, %dma_wait3A_494] : memref<8192x2048xf32, #tpu.memory_space<hbm>> -> memref<8x2048xf32, #tpu.memory_space<hbm>>
    %dma_wait3A_496 = arith.constant 0 : i32
    %dma_wait3A_497 = tpu.memref_slice %arg4[%add3A_449, %dma_wait3A_496] : memref<8192x2048xf32, #tpu.memory_space<hbm>> -> memref<8x2048xf32, #tpu.memory_space<hbm>>
    tpu.wait_dma2 semaphore(%arg16 : memref<!tpu.dma_semaphore, #tpu.memory_space<semaphore_mem>>) src(%arg8 : memref<8x2048xf32, #tpu.memory_space<vmem>>) dst(%dma_wait3A_497 : memref<8x2048xf32, #tpu.memory_space<hbm>>)
    %dma_start3A_498 = arith.constant 208 : i32
    %dma_start3A_499 = tpu.memref_slice %arg5[%dma_start3A_498] : memref<256xi32, #tpu.memory_space<vmem>> -> memref<8xi32, #tpu.memory_space<vmem>>
    %dma_start3A_500 = arith.constant 0 : i32
    %dma_start3A_501 = arith.constant 0 : i32
    %dma_start3A_502 = tpu.memref_slice %arg2[%dma_start3A_500, %dma_start3A_501] : memref<8192x2048xf32, #tpu.memory_space<hbm>> -> memref<8192x2048xf32, #tpu.memory_space<hbm>>
    tpu.enqueue_indirect_dma source(%dma_start3A_502 : memref<8192x2048xf32, #tpu.memory_space<hbm>>) target(%arg8 : memref<8x2048xf32, #tpu.memory_space<vmem>>) offsets(%dma_start3A_499 : memref<8xi32, #tpu.memory_space<vmem>>) semaphore(%arg12 : memref<!tpu.dma_semaphore, #tpu.memory_space<semaphore_mem>>)
    %dma_wait3A_503 = arith.constant 200 : i32
    %dma_wait3A_504 = tpu.memref_slice %arg5[%dma_wait3A_503] : memref<256xi32, #tpu.memory_space<vmem>> -> memref<8xi32, #tpu.memory_space<vmem>>
    %dma_wait3A_505 = arith.constant 0 : i32
    %dma_wait3A_506 = arith.constant 0 : i32
    %dma_wait3A_507 = tpu.memref_slice %arg2[%dma_wait3A_505, %dma_wait3A_506] : memref<8192x2048xf32, #tpu.memory_space<hbm>> -> memref<8192x2048xf32, #tpu.memory_space<hbm>>
    tpu.wait_indirect_dma semaphore(%arg11 : memref<!tpu.dma_semaphore, #tpu.memory_space<semaphore_mem>>) src(%dma_wait3A_507 : memref<8192x2048xf32, #tpu.memory_space<hbm>>) dst(%arg7 : memref<8x2048xf32, #tpu.memory_space<vmem>>)
    %add3A_508 = arith.constant 200 : i32
    %add3A_509 = arith.addi %mul3A_2, %add3A_508 : i32
    %dma_start3A_510 = arith.constant 0 : i32
    %dma_start3A_511 = tpu.memref_slice %arg4[%add3A_509, %dma_start3A_510] : memref<8192x2048xf32, #tpu.memory_space<hbm>> -> memref<8x2048xf32, #tpu.memory_space<hbm>>
    %dma_start3A_512 = arith.constant 0 : i32
    %dma_start3A_513 = tpu.memref_slice %arg4[%add3A_509, %dma_start3A_512] : memref<8192x2048xf32, #tpu.memory_space<hbm>> -> memref<8x2048xf32, #tpu.memory_space<hbm>>
    tpu.enqueue_dma source(%arg7 : memref<8x2048xf32, #tpu.memory_space<vmem>>) target(%dma_start3A_513 : memref<8x2048xf32, #tpu.memory_space<hbm>>) target_semaphore(%arg15 : memref<!tpu.dma_semaphore, #tpu.memory_space<semaphore_mem>>)
    %dma_wait3A_514 = arith.constant 0 : i32
    %dma_wait3A_515 = tpu.memref_slice %arg4[%add3A_469, %dma_wait3A_514] : memref<8192x2048xf32, #tpu.memory_space<hbm>> -> memref<8x2048xf32, #tpu.memory_space<hbm>>
    %dma_wait3A_516 = arith.constant 0 : i32
    %dma_wait3A_517 = tpu.memref_slice %arg4[%add3A_469, %dma_wait3A_516] : memref<8192x2048xf32, #tpu.memory_space<hbm>> -> memref<8x2048xf32, #tpu.memory_space<hbm>>
    tpu.wait_dma2 semaphore(%arg17 : memref<!tpu.dma_semaphore, #tpu.memory_space<semaphore_mem>>) src(%arg9 : memref<8x2048xf32, #tpu.memory_space<vmem>>) dst(%dma_wait3A_517 : memref<8x2048xf32, #tpu.memory_space<hbm>>)
    %dma_start3A_518 = arith.constant 216 : i32
    %dma_start3A_519 = tpu.memref_slice %arg5[%dma_start3A_518] : memref<256xi32, #tpu.memory_space<vmem>> -> memref<8xi32, #tpu.memory_space<vmem>>
    %dma_start3A_520 = arith.constant 0 : i32
    %dma_start3A_521 = arith.constant 0 : i32
    %dma_start3A_522 = tpu.memref_slice %arg2[%dma_start3A_520, %dma_start3A_521] : memref<8192x2048xf32, #tpu.memory_space<hbm>> -> memref<8192x2048xf32, #tpu.memory_space<hbm>>
    tpu.enqueue_indirect_dma source(%dma_start3A_522 : memref<8192x2048xf32, #tpu.memory_space<hbm>>) target(%arg9 : memref<8x2048xf32, #tpu.memory_space<vmem>>) offsets(%dma_start3A_519 : memref<8xi32, #tpu.memory_space<vmem>>) semaphore(%arg13 : memref<!tpu.dma_semaphore, #tpu.memory_space<semaphore_mem>>)
    %dma_wait3A_523 = arith.constant 208 : i32
    %dma_wait3A_524 = tpu.memref_slice %arg5[%dma_wait3A_523] : memref<256xi32, #tpu.memory_space<vmem>> -> memref<8xi32, #tpu.memory_space<vmem>>
    %dma_wait3A_525 = arith.constant 0 : i32
    %dma_wait3A_526 = arith.constant 0 : i32
    %dma_wait3A_527 = tpu.memref_slice %arg2[%dma_wait3A_525, %dma_wait3A_526] : memref<8192x2048xf32, #tpu.memory_space<hbm>> -> memref<8192x2048xf32, #tpu.memory_space<hbm>>
    tpu.wait_indirect_dma semaphore(%arg12 : memref<!tpu.dma_semaphore, #tpu.memory_space<semaphore_mem>>) src(%dma_wait3A_527 : memref<8192x2048xf32, #tpu.memory_space<hbm>>) dst(%arg8 : memref<8x2048xf32, #tpu.memory_space<vmem>>)
    %add3A_528 = arith.constant 208 : i32
    %add3A_529 = arith.addi %mul3A_2, %add3A_528 : i32
    %dma_start3A_530 = arith.constant 0 : i32
    %dma_start3A_531 = tpu.memref_slice %arg4[%add3A_529, %dma_start3A_530] : memref<8192x2048xf32, #tpu.memory_space<hbm>> -> memref<8x2048xf32, #tpu.memory_space<hbm>>
    %dma_start3A_532 = arith.constant 0 : i32
    %dma_start3A_533 = tpu.memref_slice %arg4[%add3A_529, %dma_start3A_532] : memref<8192x2048xf32, #tpu.memory_space<hbm>> -> memref<8x2048xf32, #tpu.memory_space<hbm>>
    tpu.enqueue_dma source(%arg8 : memref<8x2048xf32, #tpu.memory_space<vmem>>) target(%dma_start3A_533 : memref<8x2048xf32, #tpu.memory_space<hbm>>) target_semaphore(%arg16 : memref<!tpu.dma_semaphore, #tpu.memory_space<semaphore_mem>>)
    %dma_wait3A_534 = arith.constant 0 : i32
    %dma_wait3A_535 = tpu.memref_slice %arg4[%add3A_489, %dma_wait3A_534] : memref<8192x2048xf32, #tpu.memory_space<hbm>> -> memref<8x2048xf32, #tpu.memory_space<hbm>>
    %dma_wait3A_536 = arith.constant 0 : i32
    %dma_wait3A_537 = tpu.memref_slice %arg4[%add3A_489, %dma_wait3A_536] : memref<8192x2048xf32, #tpu.memory_space<hbm>> -> memref<8x2048xf32, #tpu.memory_space<hbm>>
    tpu.wait_dma2 semaphore(%arg14 : memref<!tpu.dma_semaphore, #tpu.memory_space<semaphore_mem>>) src(%arg6 : memref<8x2048xf32, #tpu.memory_space<vmem>>) dst(%dma_wait3A_537 : memref<8x2048xf32, #tpu.memory_space<hbm>>)
    %dma_start3A_538 = arith.constant 224 : i32
    %dma_start3A_539 = tpu.memref_slice %arg5[%dma_start3A_538] : memref<256xi32, #tpu.memory_space<vmem>> -> memref<8xi32, #tpu.memory_space<vmem>>
    %dma_start3A_540 = arith.constant 0 : i32
    %dma_start3A_541 = arith.constant 0 : i32
    %dma_start3A_542 = tpu.memref_slice %arg2[%dma_start3A_540, %dma_start3A_541] : memref<8192x2048xf32, #tpu.memory_space<hbm>> -> memref<8192x2048xf32, #tpu.memory_space<hbm>>
    tpu.enqueue_indirect_dma source(%dma_start3A_542 : memref<8192x2048xf32, #tpu.memory_space<hbm>>) target(%arg6 : memref<8x2048xf32, #tpu.memory_space<vmem>>) offsets(%dma_start3A_539 : memref<8xi32, #tpu.memory_space<vmem>>) semaphore(%arg10 : memref<!tpu.dma_semaphore, #tpu.memory_space<semaphore_mem>>)
    %dma_wait3A_543 = arith.constant 216 : i32
    %dma_wait3A_544 = tpu.memref_slice %arg5[%dma_wait3A_543] : memref<256xi32, #tpu.memory_space<vmem>> -> memref<8xi32, #tpu.memory_space<vmem>>
    %dma_wait3A_545 = arith.constant 0 : i32
    %dma_wait3A_546 = arith.constant 0 : i32
    %dma_wait3A_547 = tpu.memref_slice %arg2[%dma_wait3A_545, %dma_wait3A_546] : memref<8192x2048xf32, #tpu.memory_space<hbm>> -> memref<8192x2048xf32, #tpu.memory_space<hbm>>
    tpu.wait_indirect_dma semaphore(%arg13 : memref<!tpu.dma_semaphore, #tpu.memory_space<semaphore_mem>>) src(%dma_wait3A_547 : memref<8192x2048xf32, #tpu.memory_space<hbm>>) dst(%arg9 : memref<8x2048xf32, #tpu.memory_space<vmem>>)
    %add3A_548 = arith.constant 216 : i32
    %add3A_549 = arith.addi %mul3A_2, %add3A_548 : i32
    %dma_start3A_550 = arith.constant 0 : i32
    %dma_start3A_551 = tpu.memref_slice %arg4[%add3A_549, %dma_start3A_550] : memref<8192x2048xf32, #tpu.memory_space<hbm>> -> memref<8x2048xf32, #tpu.memory_space<hbm>>
    %dma_start3A_552 = arith.constant 0 : i32
    %dma_start3A_553 = tpu.memref_slice %arg4[%add3A_549, %dma_start3A_552] : memref<8192x2048xf32, #tpu.memory_space<hbm>> -> memref<8x2048xf32, #tpu.memory_space<hbm>>
    tpu.enqueue_dma source(%arg9 : memref<8x2048xf32, #tpu.memory_space<vmem>>) target(%dma_start3A_553 : memref<8x2048xf32, #tpu.memory_space<hbm>>) target_semaphore(%arg17 : memref<!tpu.dma_semaphore, #tpu.memory_space<semaphore_mem>>)
    %dma_wait3A_554 = arith.constant 0 : i32
    %dma_wait3A_555 = tpu.memref_slice %arg4[%add3A_509, %dma_wait3A_554] : memref<8192x2048xf32, #tpu.memory_space<hbm>> -> memref<8x2048xf32, #tpu.memory_space<hbm>>
    %dma_wait3A_556 = arith.constant 0 : i32
    %dma_wait3A_557 = tpu.memref_slice %arg4[%add3A_509, %dma_wait3A_556] : memref<8192x2048xf32, #tpu.memory_space<hbm>> -> memref<8x2048xf32, #tpu.memory_space<hbm>>
    tpu.wait_dma2 semaphore(%arg15 : memref<!tpu.dma_semaphore, #tpu.memory_space<semaphore_mem>>) src(%arg7 : memref<8x2048xf32, #tpu.memory_space<vmem>>) dst(%dma_wait3A_557 : memref<8x2048xf32, #tpu.memory_space<hbm>>)
    %dma_start3A_558 = arith.constant 232 : i32
    %dma_start3A_559 = tpu.memref_slice %arg5[%dma_start3A_558] : memref<256xi32, #tpu.memory_space<vmem>> -> memref<8xi32, #tpu.memory_space<vmem>>
    %dma_start3A_560 = arith.constant 0 : i32
    %dma_start3A_561 = arith.constant 0 : i32
    %dma_start3A_562 = tpu.memref_slice %arg2[%dma_start3A_560, %dma_start3A_561] : memref<8192x2048xf32, #tpu.memory_space<hbm>> -> memref<8192x2048xf32, #tpu.memory_space<hbm>>
    tpu.enqueue_indirect_dma source(%dma_start3A_562 : memref<8192x2048xf32, #tpu.memory_space<hbm>>) target(%arg7 : memref<8x2048xf32, #tpu.memory_space<vmem>>) offsets(%dma_start3A_559 : memref<8xi32, #tpu.memory_space<vmem>>) semaphore(%arg11 : memref<!tpu.dma_semaphore, #tpu.memory_space<semaphore_mem>>)
    %dma_wait3A_563 = arith.constant 224 : i32
    %dma_wait3A_564 = tpu.memref_slice %arg5[%dma_wait3A_563] : memref<256xi32, #tpu.memory_space<vmem>> -> memref<8xi32, #tpu.memory_space<vmem>>
    %dma_wait3A_565 = arith.constant 0 : i32
    %dma_wait3A_566 = arith.constant 0 : i32
    %dma_wait3A_567 = tpu.memref_slice %arg2[%dma_wait3A_565, %dma_wait3A_566] : memref<8192x2048xf32, #tpu.memory_space<hbm>> -> memref<8192x2048xf32, #tpu.memory_space<hbm>>
    tpu.wait_indirect_dma semaphore(%arg10 : memref<!tpu.dma_semaphore, #tpu.memory_space<semaphore_mem>>) src(%dma_wait3A_567 : memref<8192x2048xf32, #tpu.memory_space<hbm>>) dst(%arg6 : memref<8x2048xf32, #tpu.memory_space<vmem>>)
    %add3A_568 = arith.constant 224 : i32
    %add3A_569 = arith.addi %mul3A_2, %add3A_568 : i32
    %dma_start3A_570 = arith.constant 0 : i32
    %dma_start3A_571 = tpu.memref_slice %arg4[%add3A_569, %dma_start3A_570] : memref<8192x2048xf32, #tpu.memory_space<hbm>> -> memref<8x2048xf32, #tpu.memory_space<hbm>>
    %dma_start3A_572 = arith.constant 0 : i32
    %dma_start3A_573 = tpu.memref_slice %arg4[%add3A_569, %dma_start3A_572] : memref<8192x2048xf32, #tpu.memory_space<hbm>> -> memref<8x2048xf32, #tpu.memory_space<hbm>>
    tpu.enqueue_dma source(%arg6 : memref<8x2048xf32, #tpu.memory_space<vmem>>) target(%dma_start3A_573 : memref<8x2048xf32, #tpu.memory_space<hbm>>) target_semaphore(%arg14 : memref<!tpu.dma_semaphore, #tpu.memory_space<semaphore_mem>>)
    %dma_wait3A_574 = arith.constant 0 : i32
    %dma_wait3A_575 = tpu.memref_slice %arg4[%add3A_529, %dma_wait3A_574] : memref<8192x2048xf32, #tpu.memory_space<hbm>> -> memref<8x2048xf32, #tpu.memory_space<hbm>>
    %dma_wait3A_576 = arith.constant 0 : i32
    %dma_wait3A_577 = tpu.memref_slice %arg4[%add3A_529, %dma_wait3A_576] : memref<8192x2048xf32, #tpu.memory_space<hbm>> -> memref<8x2048xf32, #tpu.memory_space<hbm>>
    tpu.wait_dma2 semaphore(%arg16 : memref<!tpu.dma_semaphore, #tpu.memory_space<semaphore_mem>>) src(%arg8 : memref<8x2048xf32, #tpu.memory_space<vmem>>) dst(%dma_wait3A_577 : memref<8x2048xf32, #tpu.memory_space<hbm>>)
    %dma_start3A_578 = arith.constant 240 : i32
    %dma_start3A_579 = tpu.memref_slice %arg5[%dma_start3A_578] : memref<256xi32, #tpu.memory_space<vmem>> -> memref<8xi32, #tpu.memory_space<vmem>>
    %dma_start3A_580 = arith.constant 0 : i32
    %dma_start3A_581 = arith.constant 0 : i32
    %dma_start3A_582 = tpu.memref_slice %arg2[%dma_start3A_580, %dma_start3A_581] : memref<8192x2048xf32, #tpu.memory_space<hbm>> -> memref<8192x2048xf32, #tpu.memory_space<hbm>>
    tpu.enqueue_indirect_dma source(%dma_start3A_582 : memref<8192x2048xf32, #tpu.memory_space<hbm>>) target(%arg8 : memref<8x2048xf32, #tpu.memory_space<vmem>>) offsets(%dma_start3A_579 : memref<8xi32, #tpu.memory_space<vmem>>) semaphore(%arg12 : memref<!tpu.dma_semaphore, #tpu.memory_space<semaphore_mem>>)
    %dma_wait3A_583 = arith.constant 232 : i32
    %dma_wait3A_584 = tpu.memref_slice %arg5[%dma_wait3A_583] : memref<256xi32, #tpu.memory_space<vmem>> -> memref<8xi32, #tpu.memory_space<vmem>>
    %dma_wait3A_585 = arith.constant 0 : i32
    %dma_wait3A_586 = arith.constant 0 : i32
    %dma_wait3A_587 = tpu.memref_slice %arg2[%dma_wait3A_585, %dma_wait3A_586] : memref<8192x2048xf32, #tpu.memory_space<hbm>> -> memref<8192x2048xf32, #tpu.memory_space<hbm>>
    tpu.wait_indirect_dma semaphore(%arg11 : memref<!tpu.dma_semaphore, #tpu.memory_space<semaphore_mem>>) src(%dma_wait3A_587 : memref<8192x2048xf32, #tpu.memory_space<hbm>>) dst(%arg7 : memref<8x2048xf32, #tpu.memory_space<vmem>>)
    %add3A_588 = arith.constant 232 : i32
    %add3A_589 = arith.addi %mul3A_2, %add3A_588 : i32
    %dma_start3A_590 = arith.constant 0 : i32
    %dma_start3A_591 = tpu.memref_slice %arg4[%add3A_589, %dma_start3A_590] : memref<8192x2048xf32, #tpu.memory_space<hbm>> -> memref<8x2048xf32, #tpu.memory_space<hbm>>
    %dma_start3A_592 = arith.constant 0 : i32
    %dma_start3A_593 = tpu.memref_slice %arg4[%add3A_589, %dma_start3A_592] : memref<8192x2048xf32, #tpu.memory_space<hbm>> -> memref<8x2048xf32, #tpu.memory_space<hbm>>
    tpu.enqueue_dma source(%arg7 : memref<8x2048xf32, #tpu.memory_space<vmem>>) target(%dma_start3A_593 : memref<8x2048xf32, #tpu.memory_space<hbm>>) target_semaphore(%arg15 : memref<!tpu.dma_semaphore, #tpu.memory_space<semaphore_mem>>)
    %dma_wait3A_594 = arith.constant 0 : i32
    %dma_wait3A_595 = tpu.memref_slice %arg4[%add3A_549, %dma_wait3A_594] : memref<8192x2048xf32, #tpu.memory_space<hbm>> -> memref<8x2048xf32, #tpu.memory_space<hbm>>
    %dma_wait3A_596 = arith.constant 0 : i32
    %dma_wait3A_597 = tpu.memref_slice %arg4[%add3A_549, %dma_wait3A_596] : memref<8192x2048xf32, #tpu.memory_space<hbm>> -> memref<8x2048xf32, #tpu.memory_space<hbm>>
    tpu.wait_dma2 semaphore(%arg17 : memref<!tpu.dma_semaphore, #tpu.memory_space<semaphore_mem>>) src(%arg9 : memref<8x2048xf32, #tpu.memory_space<vmem>>) dst(%dma_wait3A_597 : memref<8x2048xf32, #tpu.memory_space<hbm>>)
    %dma_start3A_598 = arith.constant 248 : i32
    %dma_start3A_599 = tpu.memref_slice %arg5[%dma_start3A_598] : memref<256xi32, #tpu.memory_space<vmem>> -> memref<8xi32, #tpu.memory_space<vmem>>
    %dma_start3A_600 = arith.constant 0 : i32
    %dma_start3A_601 = arith.constant 0 : i32
    %dma_start3A_602 = tpu.memref_slice %arg2[%dma_start3A_600, %dma_start3A_601] : memref<8192x2048xf32, #tpu.memory_space<hbm>> -> memref<8192x2048xf32, #tpu.memory_space<hbm>>
    tpu.enqueue_indirect_dma source(%dma_start3A_602 : memref<8192x2048xf32, #tpu.memory_space<hbm>>) target(%arg9 : memref<8x2048xf32, #tpu.memory_space<vmem>>) offsets(%dma_start3A_599 : memref<8xi32, #tpu.memory_space<vmem>>) semaphore(%arg13 : memref<!tpu.dma_semaphore, #tpu.memory_space<semaphore_mem>>)
    %dma_wait3A_603 = arith.constant 240 : i32
    %dma_wait3A_604 = tpu.memref_slice %arg5[%dma_wait3A_603] : memref<256xi32, #tpu.memory_space<vmem>> -> memref<8xi32, #tpu.memory_space<vmem>>
    %dma_wait3A_605 = arith.constant 0 : i32
    %dma_wait3A_606 = arith.constant 0 : i32
    %dma_wait3A_607 = tpu.memref_slice %arg2[%dma_wait3A_605, %dma_wait3A_606] : memref<8192x2048xf32, #tpu.memory_space<hbm>> -> memref<8192x2048xf32, #tpu.memory_space<hbm>>
    tpu.wait_indirect_dma semaphore(%arg12 : memref<!tpu.dma_semaphore, #tpu.memory_space<semaphore_mem>>) src(%dma_wait3A_607 : memref<8192x2048xf32, #tpu.memory_space<hbm>>) dst(%arg8 : memref<8x2048xf32, #tpu.memory_space<vmem>>)
    %add3A_608 = arith.constant 240 : i32
    %add3A_609 = arith.addi %mul3A_2, %add3A_608 : i32
    %dma_start3A_610 = arith.constant 0 : i32
    %dma_start3A_611 = tpu.memref_slice %arg4[%add3A_609, %dma_start3A_610] : memref<8192x2048xf32, #tpu.memory_space<hbm>> -> memref<8x2048xf32, #tpu.memory_space<hbm>>
    %dma_start3A_612 = arith.constant 0 : i32
    %dma_start3A_613 = tpu.memref_slice %arg4[%add3A_609, %dma_start3A_612] : memref<8192x2048xf32, #tpu.memory_space<hbm>> -> memref<8x2048xf32, #tpu.memory_space<hbm>>
    tpu.enqueue_dma source(%arg8 : memref<8x2048xf32, #tpu.memory_space<vmem>>) target(%dma_start3A_613 : memref<8x2048xf32, #tpu.memory_space<hbm>>) target_semaphore(%arg16 : memref<!tpu.dma_semaphore, #tpu.memory_space<semaphore_mem>>)
    %dma_wait3A_614 = arith.constant 248 : i32
    %dma_wait3A_615 = tpu.memref_slice %arg5[%dma_wait3A_614] : memref<256xi32, #tpu.memory_space<vmem>> -> memref<8xi32, #tpu.memory_space<vmem>>
    %dma_wait3A_616 = arith.constant 0 : i32
    %dma_wait3A_617 = arith.constant 0 : i32
    %dma_wait3A_618 = tpu.memref_slice %arg2[%dma_wait3A_616, %dma_wait3A_617] : memref<8192x2048xf32, #tpu.memory_space<hbm>> -> memref<8192x2048xf32, #tpu.memory_space<hbm>>
    tpu.wait_indirect_dma semaphore(%arg13 : memref<!tpu.dma_semaphore, #tpu.memory_space<semaphore_mem>>) src(%dma_wait3A_618 : memref<8192x2048xf32, #tpu.memory_space<hbm>>) dst(%arg9 : memref<8x2048xf32, #tpu.memory_space<vmem>>)
    %add3A_619 = arith.constant 248 : i32
    %add3A_620 = arith.addi %mul3A_2, %add3A_619 : i32
    %dma_start3A_621 = arith.constant 0 : i32
    %dma_start3A_622 = tpu.memref_slice %arg4[%add3A_620, %dma_start3A_621] : memref<8192x2048xf32, #tpu.memory_space<hbm>> -> memref<8x2048xf32, #tpu.memory_space<hbm>>
    %dma_start3A_623 = arith.constant 0 : i32
    %dma_start3A_624 = tpu.memref_slice %arg4[%add3A_620, %dma_start3A_623] : memref<8192x2048xf32, #tpu.memory_space<hbm>> -> memref<8x2048xf32, #tpu.memory_space<hbm>>
    tpu.enqueue_dma source(%arg9 : memref<8x2048xf32, #tpu.memory_space<vmem>>) target(%dma_start3A_624 : memref<8x2048xf32, #tpu.memory_space<hbm>>) target_semaphore(%arg17 : memref<!tpu.dma_semaphore, #tpu.memory_space<semaphore_mem>>)
    %dma_wait3A_625 = arith.constant 0 : i32
    %dma_wait3A_626 = tpu.memref_slice %arg4[%add3A_569, %dma_wait3A_625] : memref<8192x2048xf32, #tpu.memory_space<hbm>> -> memref<8x2048xf32, #tpu.memory_space<hbm>>
    %dma_wait3A_627 = arith.constant 0 : i32
    %dma_wait3A_628 = tpu.memref_slice %arg4[%add3A_569, %dma_wait3A_627] : memref<8192x2048xf32, #tpu.memory_space<hbm>> -> memref<8x2048xf32, #tpu.memory_space<hbm>>
    tpu.wait_dma2 semaphore(%arg14 : memref<!tpu.dma_semaphore, #tpu.memory_space<semaphore_mem>>) src(%arg6 : memref<8x2048xf32, #tpu.memory_space<vmem>>) dst(%dma_wait3A_628 : memref<8x2048xf32, #tpu.memory_space<hbm>>)
    %dma_wait3A_629 = arith.constant 0 : i32
    %dma_wait3A_630 = tpu.memref_slice %arg4[%add3A_589, %dma_wait3A_629] : memref<8192x2048xf32, #tpu.memory_space<hbm>> -> memref<8x2048xf32, #tpu.memory_space<hbm>>
    %dma_wait3A_631 = arith.constant 0 : i32
    %dma_wait3A_632 = tpu.memref_slice %arg4[%add3A_589, %dma_wait3A_631] : memref<8192x2048xf32, #tpu.memory_space<hbm>> -> memref<8x2048xf32, #tpu.memory_space<hbm>>
    tpu.wait_dma2 semaphore(%arg15 : memref<!tpu.dma_semaphore, #tpu.memory_space<semaphore_mem>>) src(%arg7 : memref<8x2048xf32, #tpu.memory_space<vmem>>) dst(%dma_wait3A_632 : memref<8x2048xf32, #tpu.memory_space<hbm>>)
    %dma_wait3A_633 = arith.constant 0 : i32
    %dma_wait3A_634 = tpu.memref_slice %arg4[%add3A_609, %dma_wait3A_633] : memref<8192x2048xf32, #tpu.memory_space<hbm>> -> memref<8x2048xf32, #tpu.memory_space<hbm>>
    %dma_wait3A_635 = arith.constant 0 : i32
    %dma_wait3A_636 = tpu.memref_slice %arg4[%add3A_609, %dma_wait3A_635] : memref<8192x2048xf32, #tpu.memory_space<hbm>> -> memref<8x2048xf32, #tpu.memory_space<hbm>>
    tpu.wait_dma2 semaphore(%arg16 : memref<!tpu.dma_semaphore, #tpu.memory_space<semaphore_mem>>) src(%arg8 : memref<8x2048xf32, #tpu.memory_space<vmem>>) dst(%dma_wait3A_636 : memref<8x2048xf32, #tpu.memory_space<hbm>>)
    %dma_wait3A_637 = arith.constant 0 : i32
    %dma_wait3A_638 = tpu.memref_slice %arg4[%add3A_620, %dma_wait3A_637] : memref<8192x2048xf32, #tpu.memory_space<hbm>> -> memref<8x2048xf32, #tpu.memory_space<hbm>>
    %dma_wait3A_639 = arith.constant 0 : i32
    %dma_wait3A_640 = tpu.memref_slice %arg4[%add3A_620, %dma_wait3A_639] : memref<8192x2048xf32, #tpu.memory_space<hbm>> -> memref<8x2048xf32, #tpu.memory_space<hbm>>
    tpu.wait_dma2 semaphore(%arg17 : memref<!tpu.dma_semaphore, #tpu.memory_space<semaphore_mem>>) src(%arg9 : memref<8x2048xf32, #tpu.memory_space<vmem>>) dst(%dma_wait3A_640 : memref<8x2048xf32, #tpu.memory_space<hbm>>)
    return
  }
}

</mosaic_0001>

<sc_bundles>
// kernel: kernel.3.cloned.1.call-start
scs
__scs_entry_jumppad:
0x0: {  	(pc) =	sbr.rel $0x88, $3  }
0x1: {  	(tag) =	ssettag $0x0;
	lr =	simm.s32 $0x1  }
0x2: {  	[smem:$0x3F9F] =	sst lr;
	_ =	strace $0xD0000000  }
0x3: {  	_ = 	snop  }
0x4: {  	_ = 	snop  }
0x5: {  	_ = 	snop  }
0x6: {  	_ = 	snop  }
0x7: {  	_ = 	snop  }
__scs_overlays_trampoline_lowered:
0x8: {  	[smem:$0x3FAE] =	sst s0  }
0x9: {  	[smem:$0x3FAF] =	sst s1  }
0xa: {  	[smem:$0x3FB0] =	sst s2  }
0xb: {  	[smem:$0x3FB1] =	sst s3  }
0xc: {  	[smem:$0x3FB2] =	sst s4  }
0xd: {  	[smem:$0x3FB3] =	sst s5  }
0xe: {  	[smem:$0x3FB4] =	sst s6  }
0xf: {  	[smem:$0x3FB5] =	sst s7  }
0x10: {  	[smem:$0x3FB6] =	sst s8  }
0x11: {  	[smem:$0x3FB7] =	sst s9;
	s0 =	simm.s32 @!p0 $0x0  }
0x12: {  	s1 =	sld [smem:$0x3F9D];
	s0 =	simm.s32 @p0 $0x1  }
0x13: {  	[smem:$0x3FB8] =	sst s0;
	s0 =	simm.s32 @!p1 $0x0  }
0x14: {  	s2 =	sld [smem:$0x3F9C];
	s0 =	simm.s32 @p1 $0x1  }
0x15: {  	[smem:$0x3FB9] =	sst s0;
	s0 =	simm.s32 @!p2 $0x0  }
0x16: {  	s3 =	sld [smem:$0x3FDB];
	s0 =	simm.s32 @p2 $0x1  }
0x17: {  	s4 =	simm.s32 $0x1BF5;
	[smem:$0x3FBB] =	sst s0  }
0x18: {  	s0 =	sld [smem:$0x3F9E];
	_ =	swait.ge [sflag:s4], $0x0  }
0x19: {  	s7 =	sld [smem:$0x3F9F]  }
0x1a: {  	s8 =	sadd.s32 $0xFFFFE003, lr  }
0x1b: {  	s9 =	sadd.s32 $0xFFFFFEF7, lr;
	s5 =	simm.s32 $0xFFFFFFFF;
	p2 =	slt.u32 s8, $0xFFFFF086  }
0x1c: {  	p1 =	slt.u32 s9, $0xF7A;
	s5 =	simm.s32 @!p2 $0x0  }
0x1d: {  	s5 =	simm.s32 @p1 $0x1;
	p0 =	seq.s32 s7, s2  }
0x1e: {  	s7 =	smul.u32 @!p0 $0xF7A, s2;
	p2 =	seq.s32 @!p0 s5, $0x0  }
0x1f: {  	s9 =	smul.u32 $0xF7A, s1;
	s8 =	simm.s32 @!p0 $0x1BF5;
	p2 =	por !p2, p0  }
0x20: {  	[sflag:s8] =	ssyncset.s32 @!p0 $0xFFFFF086;
	s6 =	sadd.s32 @!p0 s3, s7;
	s7 =	simm.s32 @!p0 $0x108  }
0x21: {  	s3 =	sadd.s32 s3, s9;
	s6 =	sadd.s32 @!p0 $0x88, s6;
	s7 =	simm.s32 @p2 $0x1082  }
0x22: {  	[simem:s7], [sflag:s8] =	dma.local @!p0 [hbm:s6], $0xF7A  }
0x23: {  	s9 =	sor.u32 $0xD0000000, s2;
	s6 =	simm.s32 $0x108;
	_ =	swait.ge @!p0 [sflag:s8], $0x0  }
0x24: {  	s3 =	sadd.s32 $0x88, s3;
	s6 =	simm.s32 @!p1 $0x1082;
	[sflag:s4] =	ssyncset.s32 $0xFFFFF086  }
0x25: {  	[simem:s6], [sflag:s4] =	dma.local [hbm:s3], $0xF7A  }
0x26: {  	[smem:$0x3F9F] =	sst s1;
	(tag) =	ssettag s2;
	_ =	strace s9  }
0x27: {  	s1 =	sld [smem:$0x3FAF]  }
0x28: {  	s2 =	sld [smem:$0x3FB0]  }
0x29: {  	s4 =	sld [smem:$0x3FB2]  }
0x2a: {  	p0 =	seq.s32 s5, $0x0;
	s5 =	sld [smem:$0x3FB3]  }
0x2b: {  	s6 =	sld [smem:$0x3FB4]  }
0x2c: {  	s7 =	sld [smem:$0x3FB5]  }
0x2d: {  	s3 =	simm.s32 $0x108;
	s8 =	sld [smem:$0x3FB6]  }
0x2e: {  	s3 =	simm.s32 @!p0 $0x1082;
	s9 =	sld [smem:$0x3FB7]  }
0x2f: {  	lr =	sadd.s32 s0, s3;
	s0 =	sld [smem:$0x3FAE]  }
0x30: {  	s3 =	sld [smem:$0x3FB1]  }
0x31: {  	[smem:$0x3FBA] =	sst s10  }
0x32: {  	s10 =	sld [smem:$0x3FB8];
	_ =	sdelay $0x3  }
0x33: {  	p0 =	seq.s32 s10, $0x1;
	s10 =	sld [smem:$0x3FBA];
	_ =	sdelay $0x3  }
0x34: {  	[smem:$0x3FBA] =	sst s10  }
0x35: {  	s10 =	sld [smem:$0x3FB9];
	_ =	sdelay $0x3  }
0x36: {  	p1 =	seq.s32 s10, $0x1;
	s10 =	sld [smem:$0x3FBA];
	_ =	sdelay $0x3  }
0x37: {  	[smem:$0x3FBA] =	sst s10  }
0x38: {  	s10 =	sld [smem:$0x3FBB]  }
0x39: {  	_ = 	snop;
	(pc) =	sbr.ind lr, $3  }
0x3a: {  	_ = 	snop  }
0x3b: {  	_ = 	snop  }
0x3c: {  	p2 =	seq.s32 s10, $0x1;
	s10 =	sld [smem:$0x3FBA]  }
0x3d: {  	_ =	shalt  }
0x3e: {  	_ =	shalt  }
0x3f: {  	_ =	shalt  }
0x40: {  	_ =	shalt  }
0x41: {  	_ =	shalt  }
0x42: {  	_ =	shalt  }
0x43: {  	_ =	shalt  }
0x44: {  	_ =	shalt  }
0x45: {  	_ =	shalt  }
0x46: {  	_ =	shalt  }
0x47: {  	_ =	shalt  }
0x48: {  	_ =	shalt  }
0x49: {  	_ =	shalt  }
0x4a: {  	_ =	shalt  }
0x4b: {  	_ =	shalt  }
0x4c: {  	_ =	shalt  }
0x4d: {  	_ =	shalt  }
0x4e: {  	_ =	shalt  }
0x4f: {  	_ =	shalt  }
0x50: {  	_ =	shalt  }
0x51: {  	_ =	shalt  }
0x52: {  	_ =	shalt  }
0x53: {  	_ =	shalt  }
0x54: {  	_ =	shalt  }
0x55: {  	_ =	shalt  }
0x56: {  	_ =	shalt  }
0x57: {  	_ =	shalt  }
0x58: {  	_ =	shalt  }
0x59: {  	_ =	shalt  }
0x5a: {  	_ =	shalt  }
0x5b: {  	_ =	shalt  }
0x5c: {  	_ =	shalt  }
0x5d: {  	_ =	shalt  }
0x5e: {  	_ =	shalt  }
0x5f: {  	_ =	shalt  }
0x60: {  	_ =	shalt  }
0x61: {  	_ =	shalt  }
0x62: {  	_ =	shalt  }
0x63: {  	_ =	shalt  }
0x64: {  	_ =	shalt  }
0x65: {  	_ =	shalt  }
0x66: {  	_ =	shalt  }
0x67: {  	_ =	shalt  }
0x68: {  	_ =	shalt  }
0x69: {  	_ =	shalt  }
0x6a: {  	_ =	shalt  }
0x6b: {  	_ =	shalt  }
0x6c: {  	_ =	shalt  }
0x6d: {  	_ =	shalt  }
0x6e: {  	_ =	shalt  }
0x6f: {  	_ =	shalt  }
0x70: {  	_ =	shalt  }
0x71: {  	_ =	shalt  }
0x72: {  	_ =	shalt  }
0x73: {  	_ =	shalt  }
0x74: {  	_ =	shalt  }
0x75: {  	_ =	shalt  }
0x76: {  	_ =	shalt  }
0x77: {  	_ =	shalt  }
0x78: {  	_ =	shalt  }
0x79: {  	_ =	shalt  }
0x7a: {  	_ =	shalt  }
0x7b: {  	_ =	shalt  }
0x7c: {  	_ =	shalt  }
0x7d: {  	_ =	shalt  }
0x7e: {  	_ =	shalt  }
0x7f: {  	_ =	shalt  }
0x80: {  	_ =	shalt  }
0x81: {  	_ =	shalt  }
0x82: {  	_ =	shalt  }
0x83: {  	_ =	shalt  }
0x84: {  	_ =	shalt  }
0x85: {  	_ =	shalt  }
0x86: {  	_ =	shalt  }
0x87: {  	_ =	shalt  }
.Lfunc_end0:
.L_simem_size_0:
called_computation_lowered:
.L_overlay_start_0:
0x88: {  	s2 =	sld [smem:$0x3FD9]  }
0x89: {  	s3 =	sld [smem:$0x3FFE];
	_ =	sdelay $0x1  }
0x8a: {  	s1 =	srdreg.scid  }
0x8b: {  	s0 =	sand.u32 $0x1, s1  }
0x8c: {  	s18 =	sshll.u32 s0, $0xA;
	s2 =	sadd.s32 s3, s2  }
0x8d: {  	s2 =	sadd.s32 s2, s18  }
0x8e: {  	[smem:$0x3FC6] =	sst s2  }
0x8f: {  	_ = 	snop  }
0x90: {  	s2 =	sld [smem:$0x3FC9]  }
0x91: {  	s19 =	sld [smem:$0x3FC8]  }
0x92: {  	s4 =	sld [smem:$0x3FD0];
	(tm) =	ssettm $0x1  }
0x93: {  	s5 =	sld [smem:$0x3FFB];
	_ =	sdelay $0x3  }
0x94: {  	_ =	strace s5  }
0x95: {  	s5 =	sld [smem:$0x3FFC];
	_ =	sdelay $0x3  }
0x96: {  	_ =	strace s5  }
0x97: {  	s5 =	sld [smem:$0x3FFD];
	_ =	sdelay $0x3  }
0x98: {  	_ =	strace s5  }
0x99: {  	_ =	strace $0x8FFFFFFF  }
0x9a: {  	s20 =	sld [smem:$0x3FDB];
	_ =	sdelay $0x1  }
0x9b: {  	s6 =	simm.s32 $_scs_section_size  }
0x9c: {  	s7 =	simm.s32 $_size__tile_overlayer_lowered;
	s8 =	simm.s32 $_tile_overlayer_lowered  }
0x9d: {  	s23 =	simm.s32 $0x1BFF;
	s22 =	sshll.u32 s8, $0x1;
	s5 =	sadd.s32 s6, s20  }
0x9e: {  	s9 =	simm.s32 $0x0;
	s21 =	sshll.u32 s7, $0x1;
	s7 =	sadd.s32 s22, s5  }
0x9f: {  	[timem:s9], [sflag:s23] =	dma.local [hbm:s7], s21  }
0xa0: {  	_ =	swait.ge [sflag:s23], s21  }
0xa1: {  	s6 =	ssub.s32 $0x0, s21;
	[sflag:s23] =	ssyncset.done $0x0  }
0xa2: {  	[sflag:s23] =	ssyncadd.s32 s6;
	_ =	sdelay $0x1  }
0xa3: {  	s24 =	simm.s32 $0x1B8B  }
0xa4: {  	_ =	swait.ge [sflag:s24], $0x1  }
0xa5: {  	[sflag:s24] =	ssyncset.done $0x0  }
0xa6: {  	s25 =	simm.s32 $0x1B8E;
	[sflag:s24] =	ssyncadd.s32 $0xFFFFFFFF  }
0xa7: {  	s26 =	simm.s32 $execute0_lowered;
	[smem:$0x3FD2] =	sst s25  }
0xa8: {  	s6 =	sshll.u32 s26, $0x1;
	_ =	strace $0x80000046;
	[dreg:$0x1] =	wrdreg $0xFFFFFFFF  }
0xa9: {  	s28 =	simm.s32 $_size_execute0_lowered;
	s5 =	sadd.s32 s5, s6;
	[dreg:$0x0] =	wrdreg $0x0  }
0xaa: {  	s6 =	sshll.u32 s28, $0x1;
	[dreg:$0x2] =	wrdreg s5  }
0xab: {  	[dreg:$0x3] =	wrdreg s6  }
0xac: {  	[dreg:$0x4] =	wrdreg $0xC0  }
0xad: {  	_ =	task [dreg:s9], $0x5FFFF  }
0xae: {  	[dreg:$0x1] =	wrdreg $0xFFFFFFFF  }
0xaf: {  	[dreg:$0x0] =	wrdreg $0x60  }
0xb0: {  	[dreg:$0x2] =	wrdreg s2  }
0xb1: {  	[dreg:$0x3] =	wrdreg s19  }
0xb2: {  	[dreg:$0x4] =	wrdreg s4  }
0xb3: {  	[dreg:$0x5] =	wrdreg $0x9  }
0xb4: {  	_ =	task.clear_ibuf [dreg:s9], $0x6FFFF;
	_ =	strace $0x90000046  }
0xb5: {  	s29 =	simm.s32 $0x9;
	_ =	strace $0x80000048  }
0xb6: {  	_ =	swait.ge [sflag:s29], $0x1  }
0xb7: {  	[sflag:s29] =	ssyncadd.s32 $0xFFFFFFFF  }
0xb8: {  	_ =	strace $0x90000048  }
0xb9: {  	_ =	sfence  }
0xba: {  	s30 =	sld [smem:$0x0];
	_ =	sdelay $0x2  }
0xbb: {  	s31 =	sshll.u32 s1, $0xD;
	s1 =	sshrl.u32 s1, $0x2  }
0xbc: {  	s3 =	sand.u32 $0x4000, s31;
	s1 =	sadd.s32 s1, s30  }
0xbd: {  	s0 =	sor.u32 s3, s0;
	s1 =	sshll.u32 s1, $0x11  }
0xbe: {  	s0 =	sor.u32 s1, s0  }
0xbf: {  	s0 =	sadd.s32 $0x8F2B, s0  }
0xc0: {  	[sflag:s0] =	ssyncadd.remote.s32 $0x1  }
0xc1: {  	_ =	sfence.sel $0xFFFF  }
0xc2: {  	[dreg:$0x0] =	wrdreg $0xFFFFFFFF;
	(pc) =	sbr.abs _section_cstart, $3  }
0xc3: {  	[dreg:$0x1] =	wrdreg $0xFFFFFFFF  }
0xc4: {  	_ =	task.clear_ibuf [dreg:s9], $0x2FFFF;
	_ =	strace $0x9FFFFFFF  }
0xc5: {  	(tm) =	ssettm $0x7FFFFFFF  }
tec
execute0_lowered:
.L_overlay_start_1:
0x0: {  	(tag) =	ssettag $0x1  }
0x1: {  	s0 =	srdreg.scid  }
0x2: {  	s3 =	stileid.u32;
	s0 =	sand.u32 $0x1, s0  }
0x3: {  	s1 =	rddreg [dreg:$0x0];
	s5 =	sshll.u32 s3, $0x9;
	s6 =	sshll.u32 s0, $0x8  }
0x4: {  	s2 =	rddreg [dreg:$0x1];
	s5 =	sor.u32 s6, s5  }
0x5: {  	s4 =	rddreg [dreg:$0x2];
	s3 =	simm.s32 $0x0;
	s6 =	sshrl.u32 s5, $0x3  }
0x6: {  	[smem:$0x7FF] =	sst s3;
	s5 =	sshll.u32 s5, $0x8;
	s2 =	sadd.s32 s2, s6  }
0x7: {  	_ =	strace $0x80000047;
	s10 =	sadd.s32 s4, s5;
	[dreg:$0x4] =	wrdreg s2  }
0x8: {  	s21 =	sadd.s32 $0x800, s10;
	[smem:$0x7FC] =	sst s10  }
0x9: {  	s22 =	sadd.s32 $0x1000, s10;
	[dreg:$0x5] =	wrdreg s21  }
0xa: {  	s23 =	sadd.s32 $0x1800, s10;
	[dreg:$0x6] =	wrdreg s22  }
0xb: {  	s24 =	sadd.s32 $0x2000, s10;
	[dreg:$0x7] =	wrdreg s23  }
0xc: {  	s25 =	sadd.s32 $0x2800, s10;
	[dreg:$0x8] =	wrdreg s24  }
0xd: {  	s26 =	sadd.s32 $0x3000, s10;
	[dreg:$0x9] =	wrdreg s25  }
0xe: {  	s28 =	sadd.s32 $0x3800, s10;
	[dreg:$0xa] =	wrdreg s26  }
0xf: {  	s29 =	sadd.s32 $0x4000, s10;
	[dreg:$0xb] =	wrdreg s28  }
0x10: {  	s4 =	sadd.s32 $0x4800, s10;
	[dreg:$0xc] =	wrdreg s29  }
0x11: {  	s5 =	sadd.s32 $0x5000, s10;
	[dreg:$0xd] =	wrdreg s4  }
0x12: {  	s6 =	sadd.s32 $0x5800, s10;
	[dreg:$0xe] =	wrdreg s5  }
0x13: {  	s7 =	sadd.s32 $0x6000, s10;
	[dreg:$0xf] =	wrdreg s6  }
0x14: {  	s8 =	sadd.s32 $0x6800, s10;
	[dreg:$0x10] =	wrdreg s7  }
0x15: {  	s9 =	sadd.s32 $0x7000, s10;
	[dreg:$0x11] =	wrdreg s8  }
0x16: {  	s11 =	sadd.s32 $0x7800, s10;
	[dreg:$0x12] =	wrdreg s9  }
0x17: {  	s12 =	sadd.s32 $0x8000, s10;
	[dreg:$0x13] =	wrdreg s11  }
0x18: {  	s13 =	sadd.s32 $0x8800, s10;
	[dreg:$0x14] =	wrdreg s12  }
0x19: {  	s14 =	sadd.s32 $0x9000, s10;
	[dreg:$0x15] =	wrdreg s13  }
0x1a: {  	s15 =	sadd.s32 $0x9800, s10;
	[dreg:$0x16] =	wrdreg s14  }
0x1b: {  	s31 =	simm.s32 $0x1;
	s16 =	sadd.s32 $0xA000, s10;
	[dreg:$0x17] =	wrdreg s15  }
0x1c: {  	s30 =	simm.s32 $0x3;
	s17 =	sadd.s32 $0xA800, s10;
	[dreg:$0x18] =	wrdreg s16  }
0x1d: {  	s0 =	ssub.s32 $0x2, s0;
	s18 =	sadd.s32 $0xB000, s10;
	[dreg:$0x19] =	wrdreg s17  }
0x1e: {  	s19 =	sadd.s32 $0xB800, s10;
	s20 =	sadd.s32 $0xC000, s10;
	[dreg:$0x1a] =	wrdreg s18  }
0x1f: {  	s2 =	simm.s32 $0x8100;
	[dreg:$0x1b] =	wrdreg s19;
	s21 =	sshrl.u32 s0, $0x1  }
0x20: {  	[dreg:$0x1c] =	wrdreg s20;
	s22 =	sadd.s32 $0xC800, s10;
	s23 =	sadd.s32 $0xD000, s10  }
0x21: {  	s5 =	sadd.s32 $0x100, s1;
	s24 =	sadd.s32 $0xD800, s10;
	s6 =	sadd.s32 $0x200, s1  }
0x22: {  	s25 =	sadd.s32 $0xE000, s10;
	s7 =	sadd.s32 $0x300, s1;
	s26 =	sadd.s32 $0xE800, s10  }
0x23: {  	s8 =	sadd.s32 $0x400, s1;
	s28 =	sadd.s32 $0xF000, s10;
	[dreg:$0x1d] =	wrdreg s22  }
0x24: {  	s9 =	sadd.s32 $0x500, s1;
	s29 =	sadd.s32 $0xF800, s10;
	[dreg:$0x1e] =	wrdreg s23  }
0x25: {  	s10 =	sadd.s32 $0x600, s1;
	s11 =	sadd.s32 $0x700, s1;
	[dreg:$0x1f] =	wrdreg s24  }
0x26: {  	s19 =	simm.s32 $0x2;
	s20 =	simm.s32 $0xC100;
	[smem:$0x7F9] =	sst s25  }
0x27: {  	s13 =	simm.s32 $0x4;
	s4 =	simm.s32 $0x6;
	[smem:$0x7FA] =	sst s26  }
0x28: {  	v0 =	vlaneseq.u32;
	s15 =	simm.s32 $0x7;
	s16 =	simm.s32 $0x8;
	[smem:$0x7FB] =	sst s28  }
0x29: {  	v1 =	vshrl.u32 v0, $0x3;
	s0 =	ssub.s32 s0, s21;
	[smem:$0x7FD] =	sst s29;
	s25 =	simm.s32 $0x100  }
0x2a: {  	vm0 =	vmmov $0xffff;
	v0 =	vand.u32 $0x7, v0;
	v1 =	vmul.u32 $0x8, v1;
	s22 =	simm.s32 $0x4100;
	s12 =	smax.u32 s0, $0x1;
	s0 =	simm.s32 $0x5  }
.LBB2_1:
0x2b: {  	[smem:$0x7F8] =	sst s12  }
0x2c: {  	s17 =	rddreg [dreg:$0x4];
	s14 =	simm.s32 $0x9  }
0x2d: {  	[tilespmem:s3], [sflag:$0x9] =	stream.linear.gather [hbm4b:s17+s3], $0x100, $0x38;
	[tilespmem:$0x10100] =	vst v63  }
0x2e: {  	_ =	swait.ge [sflag:s14], $0x100  }
0x2f: {  	[sflag:s14] =	ssyncset.done $0x0  }
0x30: {  	[sflag:s14] =	ssyncadd.s32 $0xFFFFFF00  }
0x31: {  	v2 =	vld.msk [tilespmem:$0x0], $0xff;
	_ =	sdelay $0x4  }
0x32: {  	v3 =	vshll.u32 v2, $0x4  }
0x33: {  	v2 =	vand.u32 $0x7, v2;
	v3 =	vand.u32 $0xFFFFFF80, v3  }
0x34: {  	v2 =	vor.u32 v2, v3  }
0x35: {  	v2 =	vperm.xlane v2, v0;
	_ =	sdelay $0x1  }
0x36: {  	v2 =	vadd.s32 v1, v2;
	_ =	sdelay $0x4  }
0x37: {  	[tilespmem:s25], [sflag:$0x1] =	stream.indirect_vreg.gather [hbm4b:s1+s3], $0x80, v2, vm0, $0xb8;
	[tilespmem:$0x10100] =	vst v63  }
0x38: {  	s18 =	simm.s32 $0x900  }
0x39: {  	[tilespmem:s18], [sflag:$0x1] =	stream.indirect_vreg.gather [hbm4b:s5+s3], $0x80, v2, vm0, $0xb8;
	[tilespmem:$0x10100] =	vst v63  }
0x3a: {  	s21 =	simm.s32 $0x1100  }
0x3b: {  	[tilespmem:s21], [sflag:$0x1] =	stream.indirect_vreg.gather [hbm4b:s6+s3], $0x80, v2, vm0, $0xb8;
	[tilespmem:$0x10100] =	vst v63  }
0x3c: {  	s23 =	simm.s32 $0x1900  }
0x3d: {  	[tilespmem:s23], [sflag:$0x1] =	stream.indirect_vreg.gather [hbm4b:s7+s3], $0x80, v2, vm0, $0xb8;
	[tilespmem:$0x10100] =	vst v63  }
0x3e: {  	s24 =	simm.s32 $0x2100  }
0x3f: {  	[tilespmem:s24], [sflag:$0x1] =	stream.indirect_vreg.gather [hbm4b:s8+s3], $0x80, v2, vm0, $0xb8;
	[tilespmem:$0x10100] =	vst v63  }
0x40: {  	s26 =	simm.s32 $0x2900  }
0x41: {  	[tilespmem:s26], [sflag:$0x1] =	stream.indirect_vreg.gather [hbm4b:s9+s3], $0x80, v2, vm0, $0xb8;
	[tilespmem:$0x10100] =	vst v63  }
0x42: {  	s28 =	simm.s32 $0x3100  }
0x43: {  	[tilespmem:s28], [sflag:$0x1] =	stream.indirect_vreg.gather [hbm4b:s10+s3], $0x80, v2, vm0, $0xb8;
	[tilespmem:$0x10100] =	vst v63  }
0x44: {  	s29 =	simm.s32 $0x3900  }
0x45: {  	[tilespmem:s29], [sflag:$0x1] =	stream.indirect_vreg.gather [hbm4b:s11+s3], $0x80, v2, vm0, $0xb8;
	[tilespmem:$0x10100] =	vst v63  }
0x46: {  	v2 =	vld.msk [tilespmem:$0x8], $0xff;
	_ =	sdelay $0x4  }
0x47: {  	v3 =	vshll.u32 v2, $0x4  }
0x48: {  	v2 =	vand.u32 $0x7, v2;
	v3 =	vand.u32 $0xFFFFFF80, v3  }
0x49: {  	v2 =	vor.u32 v2, v3  }
0x4a: {  	v2 =	vperm.xlane v2, v0;
	_ =	sdelay $0x1  }
0x4b: {  	v2 =	vadd.s32 v1, v2;
	_ =	sdelay $0x4  }
0x4c: {  	[tilespmem:s22], [sflag:$0x2] =	stream.indirect_vreg.gather [hbm4b:s1+s3], $0x80, v2, vm0, $0xb8;
	[tilespmem:$0x10100] =	vst v63  }
0x4d: {  	s17 =	simm.s32 $0x4900  }
0x4e: {  	[tilespmem:s17], [sflag:$0x2] =	stream.indirect_vreg.gather [hbm4b:s5+s3], $0x80, v2, vm0, $0xb8;
	[tilespmem:$0x10100] =	vst v63  }
0x4f: {  	s24 =	simm.s32 $0x5100  }
0x50: {  	[tilespmem:s24], [sflag:$0x2] =	stream.indirect_vreg.gather [hbm4b:s6+s3], $0x80, v2, vm0, $0xb8;
	[tilespmem:$0x10100] =	vst v63  }
0x51: {  	s29 =	simm.s32 $0x5900  }
0x52: {  	[tilespmem:s29], [sflag:$0x2] =	stream.indirect_vreg.gather [hbm4b:s7+s3], $0x80, v2, vm0, $0xb8;
	[tilespmem:$0x10100] =	vst v63  }
0x53: {  	s17 =	simm.s32 $0x6100  }
0x54: {  	[tilespmem:s17], [sflag:$0x2] =	stream.indirect_vreg.gather [hbm4b:s8+s3], $0x80, v2, vm0, $0xb8;
	[tilespmem:$0x10100] =	vst v63  }
0x55: {  	s24 =	simm.s32 $0x6900  }
0x56: {  	[tilespmem:s24], [sflag:$0x2] =	stream.indirect_vreg.gather [hbm4b:s9+s3], $0x80, v2, vm0, $0xb8;
	[tilespmem:$0x10100] =	vst v63  }
0x57: {  	s29 =	simm.s32 $0x7100  }
0x58: {  	[tilespmem:s29], [sflag:$0x2] =	stream.indirect_vreg.gather [hbm4b:s10+s3], $0x80, v2, vm0, $0xb8;
	[tilespmem:$0x10100] =	vst v63  }
0x59: {  	s17 =	simm.s32 $0x7900  }
0x5a: {  	[tilespmem:s17], [sflag:$0x2] =	stream.indirect_vreg.gather [hbm4b:s11+s3], $0x80, v2, vm0, $0xb8;
	[tilespmem:$0x10100] =	vst v63  }
0x5b: {  	_ =	swait.ge [sflag:s31], $0x4000  }
0x5c: {  	s24 =	sld [smem:$0x7FC]  }
0x5d: {  	[sflag:s31] =	ssyncset.done $0x0  }
0x5e: {  	[sflag:s31] =	ssyncadd.s32 $0xFFFFC000  }
0x5f: {  	[hbm4b:s24+s3] =	stream.linear.scatter [tilespmem:s25], [sflag:$0x5], $0x4000, $0x38;
	[tilespmem:$0x10100] =	vst v63  }
0x60: {  	v2 =	vld.msk [tilespmem:$0x10], $0xff;
	_ =	sdelay $0x4  }
0x61: {  	v3 =	vshll.u32 v2, $0x4  }
0x62: {  	v2 =	vand.u32 $0x7, v2;
	v3 =	vand.u32 $0xFFFFFF80, v3  }
0x63: {  	v2 =	vor.u32 v2, v3  }
0x64: {  	v2 =	vperm.xlane v2, v0;
	_ =	sdelay $0x1  }
0x65: {  	v2 =	vadd.s32 v1, v2;
	_ =	sdelay $0x4  }
0x66: {  	[tilespmem:s2], [sflag:$0x3] =	stream.indirect_vreg.gather [hbm4b:s1+s3], $0x80, v2, vm0, $0xb8;
	[tilespmem:$0x10100] =	vst v63  }
0x67: {  	s29 =	simm.s32 $0x8900  }
0x68: {  	[tilespmem:s29], [sflag:$0x3] =	stream.indirect_vreg.gather [hbm4b:s5+s3], $0x80, v2, vm0, $0xb8;
	[tilespmem:$0x10100] =	vst v63  }
0x69: {  	s24 =	simm.s32 $0x9100  }
0x6a: {  	[tilespmem:s24], [sflag:$0x3] =	stream.indirect_vreg.gather [hbm4b:s6+s3], $0x80, v2, vm0, $0xb8;
	[tilespmem:$0x10100] =	vst v63  }
0x6b: {  	s29 =	simm.s32 $0x9900  }
0x6c: {  	[tilespmem:s29], [sflag:$0x3] =	stream.indirect_vreg.gather [hbm4b:s7+s3], $0x80, v2, vm0, $0xb8;
	[tilespmem:$0x10100] =	vst v63  }
0x6d: {  	s24 =	simm.s32 $0xA100  }
0x6e: {  	[tilespmem:s24], [sflag:$0x3] =	stream.indirect_vreg.gather [hbm4b:s8+s3], $0x80, v2, vm0, $0xb8;
	[tilespmem:$0x10100] =	vst v63  }
0x6f: {  	s29 =	simm.s32 $0xA900  }
0x70: {  	[tilespmem:s29], [sflag:$0x3] =	stream.indirect_vreg.gather [hbm4b:s9+s3], $0x80, v2, vm0, $0xb8;
	[tilespmem:$0x10100] =	vst v63  }
0x71: {  	s24 =	simm.s32 $0xB100  }
0x72: {  	[tilespmem:s24], [sflag:$0x3] =	stream.indirect_vreg.gather [hbm4b:s10+s3], $0x80, v2, vm0, $0xb8;
	[tilespmem:$0x10100] =	vst v63  }
0x73: {  	s29 =	simm.s32 $0xB900  }
0x74: {  	[tilespmem:s29], [sflag:$0x3] =	stream.indirect_vreg.gather [hbm4b:s11+s3], $0x80, v2, vm0, $0xb8;
	[tilespmem:$0x10100] =	vst v63  }
0x75: {  	_ =	swait.ge [sflag:s19], $0x4000  }
0x76: {  	[sflag:s19] =	ssyncset.done $0x0  }
0x77: {  	s24 =	rddreg [dreg:$0x5];
	[sflag:s19] =	ssyncadd.s32 $0xFFFFC000  }
0x78: {  	[hbm4b:s24+s3] =	stream.linear.scatter [tilespmem:s22], [sflag:$0x6], $0x4000, $0x38;
	[tilespmem:$0x10100] =	vst v63  }
0x79: {  	v2 =	vld.msk [tilespmem:$0x18], $0xff;
	_ =	sdelay $0x4  }
0x7a: {  	v3 =	vshll.u32 v2, $0x4  }
0x7b: {  	v2 =	vand.u32 $0x7, v2;
	v3 =	vand.u32 $0xFFFFFF80, v3  }
0x7c: {  	v2 =	vor.u32 v2, v3  }
0x7d: {  	v2 =	vperm.xlane v2, v0;
	_ =	sdelay $0x1  }
0x7e: {  	v2 =	vadd.s32 v1, v2;
	_ =	sdelay $0x4  }
0x7f: {  	[tilespmem:s20], [sflag:$0x4] =	stream.indirect_vreg.gather [hbm4b:s1+s3], $0x80, v2, vm0, $0xb8;
	[tilespmem:$0x10100] =	vst v63  }
0x80: {  	s24 =	simm.s32 $0xC900  }
0x81: {  	[tilespmem:s24], [sflag:$0x4] =	stream.indirect_vreg.gather [hbm4b:s5+s3], $0x80, v2, vm0, $0xb8;
	[tilespmem:$0x10100] =	vst v63  }
0x82: {  	s24 =	simm.s32 $0xD100  }
0x83: {  	[tilespmem:s24], [sflag:$0x4] =	stream.indirect_vreg.gather [hbm4b:s6+s3], $0x80, v2, vm0, $0xb8;
	[tilespmem:$0x10100] =	vst v63  }
0x84: {  	s24 =	simm.s32 $0xD900  }
0x85: {  	[tilespmem:s24], [sflag:$0x4] =	stream.indirect_vreg.gather [hbm4b:s7+s3], $0x80, v2, vm0, $0xb8;
	[tilespmem:$0x10100] =	vst v63  }
0x86: {  	s24 =	simm.s32 $0xE100  }
0x87: {  	[tilespmem:s24], [sflag:$0x4] =	stream.indirect_vreg.gather [hbm4b:s8+s3], $0x80, v2, vm0, $0xb8;
	[tilespmem:$0x10100] =	vst v63  }
0x88: {  	s24 =	simm.s32 $0xE900  }
0x89: {  	[tilespmem:s24], [sflag:$0x4] =	stream.indirect_vreg.gather [hbm4b:s9+s3], $0x80, v2, vm0, $0xb8;
	[tilespmem:$0x10100] =	vst v63  }
0x8a: {  	s24 =	simm.s32 $0xF100  }
0x8b: {  	[tilespmem:s24], [sflag:$0x4] =	stream.indirect_vreg.gather [hbm4b:s10+s3], $0x80, v2, vm0, $0xb8;
	[tilespmem:$0x10100] =	vst v63  }
0x8c: {  	s24 =	simm.s32 $0xF900  }
0x8d: {  	[tilespmem:s24], [sflag:$0x4] =	stream.indirect_vreg.gather [hbm4b:s11+s3], $0x80, v2, vm0, $0xb8;
	[tilespmem:$0x10100] =	vst v63  }
0x8e: {  	_ =	swait.ge [sflag:s30], $0x4000  }
0x8f: {  	[sflag:s30] =	ssyncset.done $0x0  }
0x90: {  	s24 =	rddreg [dreg:$0x6];
	[sflag:s30] =	ssyncadd.s32 $0xFFFFC000  }
0x91: {  	[hbm4b:s24+s3] =	stream.linear.scatter [tilespmem:s2], [sflag:$0x7], $0x4000, $0x38;
	[tilespmem:$0x10100] =	vst v63  }
0x92: {  	_ =	swait.ge [sflag:s0], $0x4000  }
0x93: {  	[sflag:s0] =	ssyncset.done $0x0  }
0x94: {  	[sflag:s0] =	ssyncadd.s32 $0xFFFFC000  }
0x95: {  	v2 =	vld.msk [tilespmem:$0x20], $0xff;
	_ =	sdelay $0x4  }
0x96: {  	v3 =	vshll.u32 v2, $0x4  }
0x97: {  	v2 =	vand.u32 $0x7, v2;
	v3 =	vand.u32 $0xFFFFFF80, v3  }
0x98: {  	v2 =	vor.u32 v2, v3  }
0x99: {  	v2 =	vperm.xlane v2, v0;
	_ =	sdelay $0x1  }
0x9a: {  	v2 =	vadd.s32 v1, v2;
	_ =	sdelay $0x4  }
0x9b: {  	[tilespmem:s25], [sflag:$0x1] =	stream.indirect_vreg.gather [hbm4b:s1+s3], $0x80, v2, vm0, $0xb8;
	[tilespmem:$0x10100] =	vst v63  }
0x9c: {  	s14 =	simm.s32 $0x900  }
0x9d: {  	[tilespmem:s14], [sflag:$0x1] =	stream.indirect_vreg.gather [hbm4b:s5+s3], $0x80, v2, vm0, $0xb8;
	[tilespmem:$0x10100] =	vst v63  }
0x9e: {  	s18 =	simm.s32 $0x1100  }
0x9f: {  	[tilespmem:s18], [sflag:$0x1] =	stream.indirect_vreg.gather [hbm4b:s6+s3], $0x80, v2, vm0, $0xb8;
	[tilespmem:$0x10100] =	vst v63  }
0xa0: {  	s21 =	simm.s32 $0x1900  }
0xa1: {  	[tilespmem:s21], [sflag:$0x1] =	stream.indirect_vreg.gather [hbm4b:s7+s3], $0x80, v2, vm0, $0xb8;
	[tilespmem:$0x10100] =	vst v63  }
0xa2: {  	s23 =	simm.s32 $0x2100  }
0xa3: {  	[tilespmem:s23], [sflag:$0x1] =	stream.indirect_vreg.gather [hbm4b:s8+s3], $0x80, v2, vm0, $0xb8;
	[tilespmem:$0x10100] =	vst v63  }
0xa4: {  	s26 =	simm.s32 $0x2900  }
0xa5: {  	[tilespmem:s26], [sflag:$0x1] =	stream.indirect_vreg.gather [hbm4b:s9+s3], $0x80, v2, vm0, $0xb8;
	[tilespmem:$0x10100] =	vst v63  }
0xa6: {  	s28 =	simm.s32 $0x3100  }
0xa7: {  	[tilespmem:s28], [sflag:$0x1] =	stream.indirect_vreg.gather [hbm4b:s10+s3], $0x80, v2, vm0, $0xb8;
	[tilespmem:$0x10100] =	vst v63  }
0xa8: {  	s24 =	simm.s32 $0x3900  }
0xa9: {  	[tilespmem:s24], [sflag:$0x1] =	stream.indirect_vreg.gather [hbm4b:s11+s3], $0x80, v2, vm0, $0xb8;
	[tilespmem:$0x10100] =	vst v63  }
0xaa: {  	_ =	swait.ge [sflag:s13], $0x4000  }
0xab: {  	[sflag:s13] =	ssyncset.done $0x0  }
0xac: {  	s28 =	rddreg [dreg:$0x7];
	[sflag:s13] =	ssyncadd.s32 $0xFFFFC000  }
0xad: {  	[hbm4b:s28+s3] =	stream.linear.scatter [tilespmem:s20], [sflag:$0x8], $0x4000, $0x38;
	[tilespmem:$0x10100] =	vst v63  }
0xae: {  	_ =	swait.ge [sflag:s4], $0x4000  }
0xaf: {  	[sflag:s4] =	ssyncset.done $0x0  }
0xb0: {  	[sflag:s4] =	ssyncadd.s32 $0xFFFFC000  }
0xb1: {  	v2 =	vld.msk [tilespmem:$0x28], $0xff;
	_ =	sdelay $0x4  }
0xb2: {  	v3 =	vshll.u32 v2, $0x4  }
0xb3: {  	v2 =	vand.u32 $0x7, v2;
	v3 =	vand.u32 $0xFFFFFF80, v3  }
0xb4: {  	v2 =	vor.u32 v2, v3  }
0xb5: {  	v2 =	vperm.xlane v2, v0;
	_ =	sdelay $0x1  }
0xb6: {  	v2 =	vadd.s32 v1, v2;
	_ =	sdelay $0x4  }
0xb7: {  	[tilespmem:s22], [sflag:$0x2] =	stream.indirect_vreg.gather [hbm4b:s1+s3], $0x80, v2, vm0, $0xb8;
	[tilespmem:$0x10100] =	vst v63  }
0xb8: {  	s28 =	simm.s32 $0x4900  }
0xb9: {  	[tilespmem:s28], [sflag:$0x2] =	stream.indirect_vreg.gather [hbm4b:s5+s3], $0x80, v2, vm0, $0xb8;
	[tilespmem:$0x10100] =	vst v63  }
0xba: {  	s26 =	simm.s32 $0x5100  }
0xbb: {  	[tilespmem:s26], [sflag:$0x2] =	stream.indirect_vreg.gather [hbm4b:s6+s3], $0x80, v2, vm0, $0xb8;
	[tilespmem:$0x10100] =	vst v63  }
0xbc: {  	s14 =	simm.s32 $0x5900  }
0xbd: {  	[tilespmem:s14], [sflag:$0x2] =	stream.indirect_vreg.gather [hbm4b:s7+s3], $0x80, v2, vm0, $0xb8;
	[tilespmem:$0x10100] =	vst v63  }
0xbe: {  	s18 =	simm.s32 $0x6100  }
0xbf: {  	[tilespmem:s18], [sflag:$0x2] =	stream.indirect_vreg.gather [hbm4b:s8+s3], $0x80, v2, vm0, $0xb8;
	[tilespmem:$0x10100] =	vst v63  }
0xc0: {  	s21 =	simm.s32 $0x6900  }
0xc1: {  	[tilespmem:s21], [sflag:$0x2] =	stream.indirect_vreg.gather [hbm4b:s9+s3], $0x80, v2, vm0, $0xb8;
	[tilespmem:$0x10100] =	vst v63  }
0xc2: {  	s23 =	simm.s32 $0x7100  }
0xc3: {  	[tilespmem:s23], [sflag:$0x2] =	stream.indirect_vreg.gather [hbm4b:s10+s3], $0x80, v2, vm0, $0xb8;
	[tilespmem:$0x10100] =	vst v63  }
0xc4: {  	s12 =	simm.s32 $0x7900  }
0xc5: {  	[tilespmem:s12], [sflag:$0x2] =	stream.indirect_vreg.gather [hbm4b:s11+s3], $0x80, v2, vm0, $0xb8;
	[tilespmem:$0x10100] =	vst v63  }
0xc6: {  	_ =	swait.ge [sflag:s31], $0x4000  }
0xc7: {  	[sflag:s31] =	ssyncset.done $0x0  }
0xc8: {  	s12 =	rddreg [dreg:$0x8];
	[sflag:s31] =	ssyncadd.s32 $0xFFFFC000  }
0xc9: {  	[hbm4b:s12+s3] =	stream.linear.scatter [tilespmem:s25], [sflag:$0x5], $0x4000, $0x38;
	[tilespmem:$0x10100] =	vst v63  }
0xca: {  	_ =	swait.ge [sflag:s15], $0x4000  }
0xcb: {  	[sflag:s15] =	ssyncset.done $0x0  }
0xcc: {  	[sflag:s15] =	ssyncadd.s32 $0xFFFFC000  }
0xcd: {  	v2 =	vld.msk [tilespmem:$0x30], $0xff;
	_ =	sdelay $0x4  }
0xce: {  	v3 =	vshll.u32 v2, $0x4  }
0xcf: {  	v2 =	vand.u32 $0x7, v2;
	v3 =	vand.u32 $0xFFFFFF80, v3  }
0xd0: {  	v2 =	vor.u32 v2, v3  }
0xd1: {  	v2 =	vperm.xlane v2, v0;
	_ =	sdelay $0x1  }
0xd2: {  	v2 =	vadd.s32 v1, v2;
	_ =	sdelay $0x4  }
0xd3: {  	[tilespmem:s2], [sflag:$0x3] =	stream.indirect_vreg.gather [hbm4b:s1+s3], $0x80, v2, vm0, $0xb8;
	[tilespmem:$0x10100] =	vst v63  }
0xd4: {  	s17 =	simm.s32 $0x8900  }
0xd5: {  	[tilespmem:s17], [sflag:$0x3] =	stream.indirect_vreg.gather [hbm4b:s5+s3], $0x80, v2, vm0, $0xb8;
	[tilespmem:$0x10100] =	vst v63  }
0xd6: {  	s17 =	simm.s32 $0x9100  }
0xd7: {  	[tilespmem:s17], [sflag:$0x3] =	stream.indirect_vreg.gather [hbm4b:s6+s3], $0x80, v2, vm0, $0xb8;
	[tilespmem:$0x10100] =	vst v63  }
0xd8: {  	s17 =	simm.s32 $0x9900  }
0xd9: {  	[tilespmem:s17], [sflag:$0x3] =	stream.indirect_vreg.gather [hbm4b:s7+s3], $0x80, v2, vm0, $0xb8;
	[tilespmem:$0x10100] =	vst v63  }
0xda: {  	s17 =	simm.s32 $0xA100  }
0xdb: {  	[tilespmem:s17], [sflag:$0x3] =	stream.indirect_vreg.gather [hbm4b:s8+s3], $0x80, v2, vm0, $0xb8;
	[tilespmem:$0x10100] =	vst v63  }
0xdc: {  	s17 =	simm.s32 $0xA900  }
0xdd: {  	[tilespmem:s17], [sflag:$0x3] =	stream.indirect_vreg.gather [hbm4b:s9+s3], $0x80, v2, vm0, $0xb8;
	[tilespmem:$0x10100] =	vst v63  }
0xde: {  	s17 =	simm.s32 $0xB100  }
0xdf: {  	[tilespmem:s17], [sflag:$0x3] =	stream.indirect_vreg.gather [hbm4b:s10+s3], $0x80, v2, vm0, $0xb8;
	[tilespmem:$0x10100] =	vst v63  }
0xe0: {  	s29 =	simm.s32 $0xB900  }
0xe1: {  	[tilespmem:s29], [sflag:$0x3] =	stream.indirect_vreg.gather [hbm4b:s11+s3], $0x80, v2, vm0, $0xb8;
	[tilespmem:$0x10100] =	vst v63  }
0xe2: {  	_ =	swait.ge [sflag:s19], $0x4000  }
0xe3: {  	[sflag:s19] =	ssyncset.done $0x0  }
0xe4: {  	s12 =	rddreg [dreg:$0x9];
	[sflag:s19] =	ssyncadd.s32 $0xFFFFC000  }
0xe5: {  	[hbm4b:s12+s3] =	stream.linear.scatter [tilespmem:s22], [sflag:$0x6], $0x4000, $0x38;
	[tilespmem:$0x10100] =	vst v63  }
0xe6: {  	_ =	swait.ge [sflag:s16], $0x4000  }
0xe7: {  	[sflag:s16] =	ssyncset.done $0x0  }
0xe8: {  	[sflag:s16] =	ssyncadd.s32 $0xFFFFC000  }
0xe9: {  	v2 =	vld.msk [tilespmem:$0x38], $0xff;
	_ =	sdelay $0x4  }
0xea: {  	v3 =	vshll.u32 v2, $0x4  }
0xeb: {  	v2 =	vand.u32 $0x7, v2;
	v3 =	vand.u32 $0xFFFFFF80, v3  }
0xec: {  	v2 =	vor.u32 v2, v3  }
0xed: {  	v2 =	vperm.xlane v2, v0;
	_ =	sdelay $0x1  }
0xee: {  	v2 =	vadd.s32 v1, v2;
	_ =	sdelay $0x4  }
0xef: {  	[tilespmem:s20], [sflag:$0x4] =	stream.indirect_vreg.gather [hbm4b:s1+s3], $0x80, v2, vm0, $0xb8;
	[tilespmem:$0x10100] =	vst v63  }
0xf0: {  	s17 =	simm.s32 $0xC900  }
0xf1: {  	[tilespmem:s17], [sflag:$0x4] =	stream.indirect_vreg.gather [hbm4b:s5+s3], $0x80, v2, vm0, $0xb8;
	[tilespmem:$0x10100] =	vst v63  }
0xf2: {  	s29 =	simm.s32 $0xD100  }
0xf3: {  	[tilespmem:s29], [sflag:$0x4] =	stream.indirect_vreg.gather [hbm4b:s6+s3], $0x80, v2, vm0, $0xb8;
	[tilespmem:$0x10100] =	vst v63  }
0xf4: {  	s17 =	simm.s32 $0xD900  }
0xf5: {  	[tilespmem:s17], [sflag:$0x4] =	stream.indirect_vreg.gather [hbm4b:s7+s3], $0x80, v2, vm0, $0xb8;
	[tilespmem:$0x10100] =	vst v63  }
0xf6: {  	s17 =	simm.s32 $0xE100  }
0xf7: {  	[tilespmem:s17], [sflag:$0x4] =	stream.indirect_vreg.gather [hbm4b:s8+s3], $0x80, v2, vm0, $0xb8;
	[tilespmem:$0x10100] =	vst v63  }
0xf8: {  	s17 =	simm.s32 $0xE900  }
0xf9: {  	[tilespmem:s17], [sflag:$0x4] =	stream.indirect_vreg.gather [hbm4b:s9+s3], $0x80, v2, vm0, $0xb8;
	[tilespmem:$0x10100] =	vst v63  }
0xfa: {  	s17 =	simm.s32 $0xF100  }
0xfb: {  	[tilespmem:s17], [sflag:$0x4] =	stream.indirect_vreg.gather [hbm4b:s10+s3], $0x80, v2, vm0, $0xb8;
	[tilespmem:$0x10100] =	vst v63  }
0xfc: {  	s17 =	simm.s32 $0xF900  }
0xfd: {  	[tilespmem:s17], [sflag:$0x4] =	stream.indirect_vreg.gather [hbm4b:s11+s3], $0x80, v2, vm0, $0xb8;
	[tilespmem:$0x10100] =	vst v63  }
0xfe: {  	_ =	swait.ge [sflag:s30], $0x4000  }
0xff: {  	[sflag:s30] =	ssyncset.done $0x0  }
0x100: {  	s17 =	rddreg [dreg:$0xa];
	[sflag:s30] =	ssyncadd.s32 $0xFFFFC000  }
0x101: {  	[hbm4b:s17+s3] =	stream.linear.scatter [tilespmem:s2], [sflag:$0x7], $0x4000, $0x38;
	[tilespmem:$0x10100] =	vst v63  }
0x102: {  	_ =	swait.ge [sflag:s0], $0x4000  }
0x103: {  	[sflag:s0] =	ssyncset.done $0x0  }
0x104: {  	[sflag:s0] =	ssyncadd.s32 $0xFFFFC000  }
0x105: {  	v2 =	vld.msk [tilespmem:$0x40], $0xff;
	_ =	sdelay $0x4  }
0x106: {  	v3 =	vshll.u32 v2, $0x4  }
0x107: {  	v2 =	vand.u32 $0x7, v2;
	v3 =	vand.u32 $0xFFFFFF80, v3  }
0x108: {  	v2 =	vor.u32 v2, v3  }
0x109: {  	v2 =	vperm.xlane v2, v0;
	_ =	sdelay $0x1  }
0x10a: {  	v2 =	vadd.s32 v1, v2;
	_ =	sdelay $0x4  }
0x10b: {  	[tilespmem:s25], [sflag:$0x1] =	stream.indirect_vreg.gather [hbm4b:s1+s3], $0x80, v2, vm0, $0xb8;
	[tilespmem:$0x10100] =	vst v63  }
0x10c: {  	s17 =	simm.s32 $0x900  }
0x10d: {  	[tilespmem:s17], [sflag:$0x1] =	stream.indirect_vreg.gather [hbm4b:s5+s3], $0x80, v2, vm0, $0xb8;
	[tilespmem:$0x10100] =	vst v63  }
0x10e: {  	s17 =	simm.s32 $0x1100  }
0x10f: {  	[tilespmem:s17], [sflag:$0x1] =	stream.indirect_vreg.gather [hbm4b:s6+s3], $0x80, v2, vm0, $0xb8;
	[tilespmem:$0x10100] =	vst v63  }
0x110: {  	s17 =	simm.s32 $0x1900  }
0x111: {  	[tilespmem:s17], [sflag:$0x1] =	stream.indirect_vreg.gather [hbm4b:s7+s3], $0x80, v2, vm0, $0xb8;
	[tilespmem:$0x10100] =	vst v63  }
0x112: {  	s17 =	simm.s32 $0x2100  }
0x113: {  	[tilespmem:s17], [sflag:$0x1] =	stream.indirect_vreg.gather [hbm4b:s8+s3], $0x80, v2, vm0, $0xb8;
	[tilespmem:$0x10100] =	vst v63  }
0x114: {  	s17 =	simm.s32 $0x2900  }
0x115: {  	[tilespmem:s17], [sflag:$0x1] =	stream.indirect_vreg.gather [hbm4b:s9+s3], $0x80, v2, vm0, $0xb8;
	[tilespmem:$0x10100] =	vst v63  }
0x116: {  	s17 =	simm.s32 $0x3100  }
0x117: {  	[tilespmem:s17], [sflag:$0x1] =	stream.indirect_vreg.gather [hbm4b:s10+s3], $0x80, v2, vm0, $0xb8;
	[tilespmem:$0x10100] =	vst v63  }
0x118: {  	_ = 	snop  }
0x119: {  	[tilespmem:s24], [sflag:$0x1] =	stream.indirect_vreg.gather [hbm4b:s11+s3], $0x80, v2, vm0, $0xb8;
	[tilespmem:$0x10100] =	vst v63  }
0x11a: {  	_ =	swait.ge [sflag:s13], $0x4000  }
0x11b: {  	[sflag:s13] =	ssyncset.done $0x0  }
0x11c: {  	s24 =	rddreg [dreg:$0xb];
	[sflag:s13] =	ssyncadd.s32 $0xFFFFC000  }
0x11d: {  	[hbm4b:s24+s3] =	stream.linear.scatter [tilespmem:s20], [sflag:$0x8], $0x4000, $0x38;
	[tilespmem:$0x10100] =	vst v63  }
0x11e: {  	_ =	swait.ge [sflag:s4], $0x4000  }
0x11f: {  	[sflag:s4] =	ssyncset.done $0x0  }
0x120: {  	[sflag:s4] =	ssyncadd.s32 $0xFFFFC000  }
0x121: {  	v2 =	vld.msk [tilespmem:$0x48], $0xff;
	_ =	sdelay $0x4  }
0x122: {  	v3 =	vshll.u32 v2, $0x4  }
0x123: {  	v2 =	vand.u32 $0x7, v2;
	v3 =	vand.u32 $0xFFFFFF80, v3  }
0x124: {  	v2 =	vor.u32 v2, v3  }
0x125: {  	v2 =	vperm.xlane v2, v0;
	_ =	sdelay $0x1  }
0x126: {  	v2 =	vadd.s32 v1, v2;
	_ =	sdelay $0x4  }
0x127: {  	[tilespmem:s22], [sflag:$0x2] =	stream.indirect_vreg.gather [hbm4b:s1+s3], $0x80, v2, vm0, $0xb8;
	[tilespmem:$0x10100] =	vst v63  }
0x128: {  	_ = 	snop  }
0x129: {  	[tilespmem:s28], [sflag:$0x2] =	stream.indirect_vreg.gather [hbm4b:s5+s3], $0x80, v2, vm0, $0xb8;
	[tilespmem:$0x10100] =	vst v63  }
0x12a: {  	_ = 	snop  }
0x12b: {  	[tilespmem:s26], [sflag:$0x2] =	stream.indirect_vreg.gather [hbm4b:s6+s3], $0x80, v2, vm0, $0xb8;
	[tilespmem:$0x10100] =	vst v63  }
0x12c: {  	_ = 	snop  }
0x12d: {  	[tilespmem:s14], [sflag:$0x2] =	stream.indirect_vreg.gather [hbm4b:s7+s3], $0x80, v2, vm0, $0xb8;
	[tilespmem:$0x10100] =	vst v63  }
0x12e: {  	_ = 	snop  }
0x12f: {  	[tilespmem:s18], [sflag:$0x2] =	stream.indirect_vreg.gather [hbm4b:s8+s3], $0x80, v2, vm0, $0xb8;
	[tilespmem:$0x10100] =	vst v63  }
0x130: {  	_ = 	snop  }
0x131: {  	[tilespmem:s21], [sflag:$0x2] =	stream.indirect_vreg.gather [hbm4b:s9+s3], $0x80, v2, vm0, $0xb8;
	[tilespmem:$0x10100] =	vst v63  }
0x132: {  	_ = 	snop  }
0x133: {  	[tilespmem:s23], [sflag:$0x2] =	stream.indirect_vreg.gather [hbm4b:s10+s3], $0x80, v2, vm0, $0xb8;
	[tilespmem:$0x10100] =	vst v63  }
0x134: {  	s23 =	simm.s32 $0x7900  }
0x135: {  	[tilespmem:s23], [sflag:$0x2] =	stream.indirect_vreg.gather [hbm4b:s11+s3], $0x80, v2, vm0, $0xb8;
	[tilespmem:$0x10100] =	vst v63  }
0x136: {  	_ =	swait.ge [sflag:s31], $0x4000  }
0x137: {  	[sflag:s31] =	ssyncset.done $0x0  }
0x138: {  	s23 =	rddreg [dreg:$0xc];
	[sflag:s31] =	ssyncadd.s32 $0xFFFFC000  }
0x139: {  	[hbm4b:s23+s3] =	stream.linear.scatter [tilespmem:s25], [sflag:$0x5], $0x4000, $0x38;
	[tilespmem:$0x10100] =	vst v63  }
0x13a: {  	_ =	swait.ge [sflag:s15], $0x4000  }
0x13b: {  	[sflag:s15] =	ssyncset.done $0x0  }
0x13c: {  	[sflag:s15] =	ssyncadd.s32 $0xFFFFC000  }
0x13d: {  	v2 =	vld.msk [tilespmem:$0x50], $0xff;
	_ =	sdelay $0x4  }
0x13e: {  	v3 =	vshll.u32 v2, $0x4  }
0x13f: {  	v2 =	vand.u32 $0x7, v2;
	v3 =	vand.u32 $0xFFFFFF80, v3  }
0x140: {  	v2 =	vor.u32 v2, v3  }
0x141: {  	v2 =	vperm.xlane v2, v0;
	_ =	sdelay $0x1  }
0x142: {  	v2 =	vadd.s32 v1, v2;
	_ =	sdelay $0x4  }
0x143: {  	[tilespmem:s2], [sflag:$0x3] =	stream.indirect_vreg.gather [hbm4b:s1+s3], $0x80, v2, vm0, $0xb8;
	[tilespmem:$0x10100] =	vst v63  }
0x144: {  	s23 =	simm.s32 $0x8900  }
0x145: {  	[tilespmem:s23], [sflag:$0x3] =	stream.indirect_vreg.gather [hbm4b:s5+s3], $0x80, v2, vm0, $0xb8;
	[tilespmem:$0x10100] =	vst v63  }
0x146: {  	s23 =	simm.s32 $0x9100  }
0x147: {  	[tilespmem:s23], [sflag:$0x3] =	stream.indirect_vreg.gather [hbm4b:s6+s3], $0x80, v2, vm0, $0xb8;
	[tilespmem:$0x10100] =	vst v63  }
0x148: {  	s23 =	simm.s32 $0x9900  }
0x149: {  	[tilespmem:s23], [sflag:$0x3] =	stream.indirect_vreg.gather [hbm4b:s7+s3], $0x80, v2, vm0, $0xb8;
	[tilespmem:$0x10100] =	vst v63  }
0x14a: {  	s23 =	simm.s32 $0xA100  }
0x14b: {  	[tilespmem:s23], [sflag:$0x3] =	stream.indirect_vreg.gather [hbm4b:s8+s3], $0x80, v2, vm0, $0xb8;
	[tilespmem:$0x10100] =	vst v63  }
0x14c: {  	s23 =	simm.s32 $0xA900  }
0x14d: {  	[tilespmem:s23], [sflag:$0x3] =	stream.indirect_vreg.gather [hbm4b:s9+s3], $0x80, v2, vm0, $0xb8;
	[tilespmem:$0x10100] =	vst v63  }
0x14e: {  	s23 =	simm.s32 $0xB100  }
0x14f: {  	[tilespmem:s23], [sflag:$0x3] =	stream.indirect_vreg.gather [hbm4b:s10+s3], $0x80, v2, vm0, $0xb8;
	[tilespmem:$0x10100] =	vst v63  }
0x150: {  	s23 =	simm.s32 $0xB900  }
0x151: {  	[tilespmem:s23], [sflag:$0x3] =	stream.indirect_vreg.gather [hbm4b:s11+s3], $0x80, v2, vm0, $0xb8;
	[tilespmem:$0x10100] =	vst v63  }
0x152: {  	_ =	swait.ge [sflag:s19], $0x4000  }
0x153: {  	[sflag:s19] =	ssyncset.done $0x0  }
0x154: {  	s23 =	rddreg [dreg:$0xd];
	[sflag:s19] =	ssyncadd.s32 $0xFFFFC000  }
0x155: {  	[hbm4b:s23+s3] =	stream.linear.scatter [tilespmem:s22], [sflag:$0x6], $0x4000, $0x38;
	[tilespmem:$0x10100] =	vst v63  }
0x156: {  	_ =	swait.ge [sflag:s16], $0x4000  }
0x157: {  	[sflag:s16] =	ssyncset.done $0x0  }
0x158: {  	[sflag:s16] =	ssyncadd.s32 $0xFFFFC000  }
0x159: {  	v2 =	vld.msk [tilespmem:$0x58], $0xff;
	_ =	sdelay $0x4  }
0x15a: {  	v3 =	vshll.u32 v2, $0x4  }
0x15b: {  	v2 =	vand.u32 $0x7, v2;
	v3 =	vand.u32 $0xFFFFFF80, v3  }
0x15c: {  	v2 =	vor.u32 v2, v3  }
0x15d: {  	v2 =	vperm.xlane v2, v0;
	_ =	sdelay $0x1  }
0x15e: {  	v2 =	vadd.s32 v1, v2;
	_ =	sdelay $0x4  }
0x15f: {  	[tilespmem:s20], [sflag:$0x4] =	stream.indirect_vreg.gather [hbm4b:s1+s3], $0x80, v2, vm0, $0xb8;
	[tilespmem:$0x10100] =	vst v63  }
0x160: {  	s12 =	simm.s32 $0xC900  }
0x161: {  	[tilespmem:s12], [sflag:$0x4] =	stream.indirect_vreg.gather [hbm4b:s5+s3], $0x80, v2, vm0, $0xb8;
	[tilespmem:$0x10100] =	vst v63  }
0x162: {  	s29 =	simm.s32 $0xD100  }
0x163: {  	[tilespmem:s29], [sflag:$0x4] =	stream.indirect_vreg.gather [hbm4b:s6+s3], $0x80, v2, vm0, $0xb8;
	[tilespmem:$0x10100] =	vst v63  }
0x164: {  	s29 =	simm.s32 $0xD900  }
0x165: {  	[tilespmem:s29], [sflag:$0x4] =	stream.indirect_vreg.gather [hbm4b:s7+s3], $0x80, v2, vm0, $0xb8;
	[tilespmem:$0x10100] =	vst v63  }
0x166: {  	s17 =	simm.s32 $0xE100  }
0x167: {  	[tilespmem:s17], [sflag:$0x4] =	stream.indirect_vreg.gather [hbm4b:s8+s3], $0x80, v2, vm0, $0xb8;
	[tilespmem:$0x10100] =	vst v63  }
0x168: {  	s17 =	simm.s32 $0xE900  }
0x169: {  	[tilespmem:s17], [sflag:$0x4] =	stream.indirect_vreg.gather [hbm4b:s9+s3], $0x80, v2, vm0, $0xb8;
	[tilespmem:$0x10100] =	vst v63  }
0x16a: {  	s17 =	simm.s32 $0xF100  }
0x16b: {  	[tilespmem:s17], [sflag:$0x4] =	stream.indirect_vreg.gather [hbm4b:s10+s3], $0x80, v2, vm0, $0xb8;
	[tilespmem:$0x10100] =	vst v63  }
0x16c: {  	s17 =	simm.s32 $0xF900  }
0x16d: {  	[tilespmem:s17], [sflag:$0x4] =	stream.indirect_vreg.gather [hbm4b:s11+s3], $0x80, v2, vm0, $0xb8;
	[tilespmem:$0x10100] =	vst v63  }
0x16e: {  	_ =	swait.ge [sflag:s30], $0x4000  }
0x16f: {  	[sflag:s30] =	ssyncset.done $0x0  }
0x170: {  	s17 =	rddreg [dreg:$0xe];
	[sflag:s30] =	ssyncadd.s32 $0xFFFFC000  }
0x171: {  	[hbm4b:s17+s3] =	stream.linear.scatter [tilespmem:s2], [sflag:$0x7], $0x4000, $0x38;
	[tilespmem:$0x10100] =	vst v63  }
0x172: {  	_ =	swait.ge [sflag:s0], $0x4000  }
0x173: {  	[sflag:s0] =	ssyncset.done $0x0  }
0x174: {  	[sflag:s0] =	ssyncadd.s32 $0xFFFFC000  }
0x175: {  	v2 =	vld.msk [tilespmem:$0x60], $0xff;
	_ =	sdelay $0x4  }
0x176: {  	v3 =	vshll.u32 v2, $0x4  }
0x177: {  	v2 =	vand.u32 $0x7, v2;
	v3 =	vand.u32 $0xFFFFFF80, v3  }
0x178: {  	v2 =	vor.u32 v2, v3  }
0x179: {  	v2 =	vperm.xlane v2, v0;
	_ =	sdelay $0x1  }
0x17a: {  	v2 =	vadd.s32 v1, v2;
	_ =	sdelay $0x4  }
0x17b: {  	[tilespmem:s25], [sflag:$0x1] =	stream.indirect_vreg.gather [hbm4b:s1+s3], $0x80, v2, vm0, $0xb8;
	[tilespmem:$0x10100] =	vst v63  }
0x17c: {  	s17 =	simm.s32 $0x900  }
0x17d: {  	[tilespmem:s17], [sflag:$0x1] =	stream.indirect_vreg.gather [hbm4b:s5+s3], $0x80, v2, vm0, $0xb8;
	[tilespmem:$0x10100] =	vst v63  }
0x17e: {  	s17 =	simm.s32 $0x1100  }
0x17f: {  	[tilespmem:s17], [sflag:$0x1] =	stream.indirect_vreg.gather [hbm4b:s6+s3], $0x80, v2, vm0, $0xb8;
	[tilespmem:$0x10100] =	vst v63  }
0x180: {  	s17 =	simm.s32 $0x1900  }
0x181: {  	[tilespmem:s17], [sflag:$0x1] =	stream.indirect_vreg.gather [hbm4b:s7+s3], $0x80, v2, vm0, $0xb8;
	[tilespmem:$0x10100] =	vst v63  }
0x182: {  	s17 =	simm.s32 $0x2100  }
0x183: {  	[tilespmem:s17], [sflag:$0x1] =	stream.indirect_vreg.gather [hbm4b:s8+s3], $0x80, v2, vm0, $0xb8;
	[tilespmem:$0x10100] =	vst v63  }
0x184: {  	s17 =	simm.s32 $0x2900  }
0x185: {  	[tilespmem:s17], [sflag:$0x1] =	stream.indirect_vreg.gather [hbm4b:s9+s3], $0x80, v2, vm0, $0xb8;
	[tilespmem:$0x10100] =	vst v63  }
0x186: {  	s17 =	simm.s32 $0x3100  }
0x187: {  	[tilespmem:s17], [sflag:$0x1] =	stream.indirect_vreg.gather [hbm4b:s10+s3], $0x80, v2, vm0, $0xb8;
	[tilespmem:$0x10100] =	vst v63  }
0x188: {  	s17 =	simm.s32 $0x3900  }
0x189: {  	[tilespmem:s17], [sflag:$0x1] =	stream.indirect_vreg.gather [hbm4b:s11+s3], $0x80, v2, vm0, $0xb8;
	[tilespmem:$0x10100] =	vst v63  }
0x18a: {  	_ =	swait.ge [sflag:s13], $0x4000  }
0x18b: {  	[sflag:s13] =	ssyncset.done $0x0  }
0x18c: {  	s17 =	rddreg [dreg:$0xf];
	[sflag:s13] =	ssyncadd.s32 $0xFFFFC000  }
0x18d: {  	[hbm4b:s17+s3] =	stream.linear.scatter [tilespmem:s20], [sflag:$0x8], $0x4000, $0x38;
	[tilespmem:$0x10100] =	vst v63  }
0x18e: {  	_ =	swait.ge [sflag:s4], $0x4000  }
0x18f: {  	[sflag:s4] =	ssyncset.done $0x0  }
0x190: {  	[sflag:s4] =	ssyncadd.s32 $0xFFFFC000  }
0x191: {  	v2 =	vld.msk [tilespmem:$0x68], $0xff;
	_ =	sdelay $0x4  }
0x192: {  	v3 =	vshll.u32 v2, $0x4  }
0x193: {  	v2 =	vand.u32 $0x7, v2;
	v3 =	vand.u32 $0xFFFFFF80, v3  }
0x194: {  	v2 =	vor.u32 v2, v3  }
0x195: {  	v2 =	vperm.xlane v2, v0;
	_ =	sdelay $0x1  }
0x196: {  	v2 =	vadd.s32 v1, v2;
	_ =	sdelay $0x4  }
0x197: {  	[tilespmem:s22], [sflag:$0x2] =	stream.indirect_vreg.gather [hbm4b:s1+s3], $0x80, v2, vm0, $0xb8;
	[tilespmem:$0x10100] =	vst v63  }
0x198: {  	s24 =	simm.s32 $0x4900  }
0x199: {  	[tilespmem:s24], [sflag:$0x2] =	stream.indirect_vreg.gather [hbm4b:s5+s3], $0x80, v2, vm0, $0xb8;
	[tilespmem:$0x10100] =	vst v63  }
0x19a: {  	s26 =	simm.s32 $0x5100  }
0x19b: {  	[tilespmem:s26], [sflag:$0x2] =	stream.indirect_vreg.gather [hbm4b:s6+s3], $0x80, v2, vm0, $0xb8;
	[tilespmem:$0x10100] =	vst v63  }
0x19c: {  	s28 =	simm.s32 $0x5900  }
0x19d: {  	[tilespmem:s28], [sflag:$0x2] =	stream.indirect_vreg.gather [hbm4b:s7+s3], $0x80, v2, vm0, $0xb8;
	[tilespmem:$0x10100] =	vst v63  }
0x19e: {  	s14 =	simm.s32 $0x6100  }
0x19f: {  	[tilespmem:s14], [sflag:$0x2] =	stream.indirect_vreg.gather [hbm4b:s8+s3], $0x80, v2, vm0, $0xb8;
	[tilespmem:$0x10100] =	vst v63  }
0x1a0: {  	s18 =	simm.s32 $0x6900  }
0x1a1: {  	[tilespmem:s18], [sflag:$0x2] =	stream.indirect_vreg.gather [hbm4b:s9+s3], $0x80, v2, vm0, $0xb8;
	[tilespmem:$0x10100] =	vst v63  }
0x1a2: {  	s21 =	simm.s32 $0x7100  }
0x1a3: {  	[tilespmem:s21], [sflag:$0x2] =	stream.indirect_vreg.gather [hbm4b:s10+s3], $0x80, v2, vm0, $0xb8;
	[tilespmem:$0x10100] =	vst v63  }
0x1a4: {  	s17 =	simm.s32 $0x7900  }
0x1a5: {  	[tilespmem:s17], [sflag:$0x2] =	stream.indirect_vreg.gather [hbm4b:s11+s3], $0x80, v2, vm0, $0xb8;
	[tilespmem:$0x10100] =	vst v63  }
0x1a6: {  	_ =	swait.ge [sflag:s31], $0x4000  }
0x1a7: {  	[sflag:s31] =	ssyncset.done $0x0  }
0x1a8: {  	s17 =	rddreg [dreg:$0x10];
	[sflag:s31] =	ssyncadd.s32 $0xFFFFC000  }
0x1a9: {  	[hbm4b:s17+s3] =	stream.linear.scatter [tilespmem:s25], [sflag:$0x5], $0x4000, $0x38;
	[tilespmem:$0x10100] =	vst v63  }
0x1aa: {  	_ =	swait.ge [sflag:s15], $0x4000  }
0x1ab: {  	[sflag:s15] =	ssyncset.done $0x0  }
0x1ac: {  	[sflag:s15] =	ssyncadd.s32 $0xFFFFC000  }
0x1ad: {  	v2 =	vld.msk [tilespmem:$0x70], $0xff;
	_ =	sdelay $0x4  }
0x1ae: {  	v3 =	vshll.u32 v2, $0x4  }
0x1af: {  	v2 =	vand.u32 $0x7, v2;
	v3 =	vand.u32 $0xFFFFFF80, v3  }
0x1b0: {  	v2 =	vor.u32 v2, v3  }
0x1b1: {  	v2 =	vperm.xlane v2, v0;
	_ =	sdelay $0x1  }
0x1b2: {  	v2 =	vadd.s32 v1, v2;
	_ =	sdelay $0x4  }
0x1b3: {  	[tilespmem:s2], [sflag:$0x3] =	stream.indirect_vreg.gather [hbm4b:s1+s3], $0x80, v2, vm0, $0xb8;
	[tilespmem:$0x10100] =	vst v63  }
0x1b4: {  	s17 =	simm.s32 $0x8900  }
0x1b5: {  	[tilespmem:s17], [sflag:$0x3] =	stream.indirect_vreg.gather [hbm4b:s5+s3], $0x80, v2, vm0, $0xb8;
	[tilespmem:$0x10100] =	vst v63  }
0x1b6: {  	s17 =	simm.s32 $0x9100  }
0x1b7: {  	[tilespmem:s17], [sflag:$0x3] =	stream.indirect_vreg.gather [hbm4b:s6+s3], $0x80, v2, vm0, $0xb8;
	[tilespmem:$0x10100] =	vst v63  }
0x1b8: {  	s17 =	simm.s32 $0x9900  }
0x1b9: {  	[tilespmem:s17], [sflag:$0x3] =	stream.indirect_vreg.gather [hbm4b:s7+s3], $0x80, v2, vm0, $0xb8;
	[tilespmem:$0x10100] =	vst v63  }
0x1ba: {  	s17 =	simm.s32 $0xA100  }
0x1bb: {  	[tilespmem:s17], [sflag:$0x3] =	stream.indirect_vreg.gather [hbm4b:s8+s3], $0x80, v2, vm0, $0xb8;
	[tilespmem:$0x10100] =	vst v63  }
0x1bc: {  	s17 =	simm.s32 $0xA900  }
0x1bd: {  	[tilespmem:s17], [sflag:$0x3] =	stream.indirect_vreg.gather [hbm4b:s9+s3], $0x80, v2, vm0, $0xb8;
	[tilespmem:$0x10100] =	vst v63  }
0x1be: {  	s17 =	simm.s32 $0xB100  }
0x1bf: {  	[tilespmem:s17], [sflag:$0x3] =	stream.indirect_vreg.gather [hbm4b:s10+s3], $0x80, v2, vm0, $0xb8;
	[tilespmem:$0x10100] =	vst v63  }
0x1c0: {  	s17 =	simm.s32 $0xB900  }
0x1c1: {  	[tilespmem:s17], [sflag:$0x3] =	stream.indirect_vreg.gather [hbm4b:s11+s3], $0x80, v2, vm0, $0xb8;
	[tilespmem:$0x10100] =	vst v63  }
0x1c2: {  	_ =	swait.ge [sflag:s19], $0x4000  }
0x1c3: {  	[sflag:s19] =	ssyncset.done $0x0  }
0x1c4: {  	s17 =	rddreg [dreg:$0x11];
	[sflag:s19] =	ssyncadd.s32 $0xFFFFC000  }
0x1c5: {  	[hbm4b:s17+s3] =	stream.linear.scatter [tilespmem:s22], [sflag:$0x6], $0x4000, $0x38;
	[tilespmem:$0x10100] =	vst v63  }
0x1c6: {  	_ =	swait.ge [sflag:s16], $0x4000  }
0x1c7: {  	[sflag:s16] =	ssyncset.done $0x0  }
0x1c8: {  	[sflag:s16] =	ssyncadd.s32 $0xFFFFC000  }
0x1c9: {  	v2 =	vld.msk [tilespmem:$0x78], $0xff;
	_ =	sdelay $0x4  }
0x1ca: {  	v3 =	vshll.u32 v2, $0x4  }
0x1cb: {  	v2 =	vand.u32 $0x7, v2;
	v3 =	vand.u32 $0xFFFFFF80, v3  }
0x1cc: {  	v2 =	vor.u32 v2, v3  }
0x1cd: {  	v2 =	vperm.xlane v2, v0;
	_ =	sdelay $0x1  }
0x1ce: {  	v2 =	vadd.s32 v1, v2;
	_ =	sdelay $0x4  }
0x1cf: {  	[tilespmem:s20], [sflag:$0x4] =	stream.indirect_vreg.gather [hbm4b:s1+s3], $0x80, v2, vm0, $0xb8;
	[tilespmem:$0x10100] =	vst v63  }
0x1d0: {  	s12 =	simm.s32 $0xC900  }
0x1d1: {  	[tilespmem:s12], [sflag:$0x4] =	stream.indirect_vreg.gather [hbm4b:s5+s3], $0x80, v2, vm0, $0xb8;
	[tilespmem:$0x10100] =	vst v63  }
0x1d2: {  	s23 =	simm.s32 $0xD100  }
0x1d3: {  	[tilespmem:s23], [sflag:$0x4] =	stream.indirect_vreg.gather [hbm4b:s6+s3], $0x80, v2, vm0, $0xb8;
	[tilespmem:$0x10100] =	vst v63  }
0x1d4: {  	s29 =	simm.s32 $0xD900  }
0x1d5: {  	[tilespmem:s29], [sflag:$0x4] =	stream.indirect_vreg.gather [hbm4b:s7+s3], $0x80, v2, vm0, $0xb8;
	[tilespmem:$0x10100] =	vst v63  }
0x1d6: {  	s17 =	simm.s32 $0xE100  }
0x1d7: {  	[tilespmem:s17], [sflag:$0x4] =	stream.indirect_vreg.gather [hbm4b:s8+s3], $0x80, v2, vm0, $0xb8;
	[tilespmem:$0x10100] =	vst v63  }
0x1d8: {  	s17 =	simm.s32 $0xE900  }
0x1d9: {  	[tilespmem:s17], [sflag:$0x4] =	stream.indirect_vreg.gather [hbm4b:s9+s3], $0x80, v2, vm0, $0xb8;
	[tilespmem:$0x10100] =	vst v63  }
0x1da: {  	s17 =	simm.s32 $0xF100  }
0x1db: {  	[tilespmem:s17], [sflag:$0x4] =	stream.indirect_vreg.gather [hbm4b:s10+s3], $0x80, v2, vm0, $0xb8;
	[tilespmem:$0x10100] =	vst v63  }
0x1dc: {  	s17 =	simm.s32 $0xF900  }
0x1dd: {  	[tilespmem:s17], [sflag:$0x4] =	stream.indirect_vreg.gather [hbm4b:s11+s3], $0x80, v2, vm0, $0xb8;
	[tilespmem:$0x10100] =	vst v63  }
0x1de: {  	_ =	swait.ge [sflag:s30], $0x4000  }
0x1df: {  	[sflag:s30] =	ssyncset.done $0x0  }
0x1e0: {  	s17 =	rddreg [dreg:$0x12];
	[sflag:s30] =	ssyncadd.s32 $0xFFFFC000  }
0x1e1: {  	[hbm4b:s17+s3] =	stream.linear.scatter [tilespmem:s2], [sflag:$0x7], $0x4000, $0x38;
	[tilespmem:$0x10100] =	vst v63  }
0x1e2: {  	_ =	swait.ge [sflag:s0], $0x4000  }
0x1e3: {  	[sflag:s0] =	ssyncset.done $0x0  }
0x1e4: {  	[sflag:s0] =	ssyncadd.s32 $0xFFFFC000  }
0x1e5: {  	v2 =	vld.msk [tilespmem:$0x80], $0xff;
	_ =	sdelay $0x4  }
0x1e6: {  	v3 =	vshll.u32 v2, $0x4  }
0x1e7: {  	v2 =	vand.u32 $0x7, v2;
	v3 =	vand.u32 $0xFFFFFF80, v3  }
0x1e8: {  	v2 =	vor.u32 v2, v3  }
0x1e9: {  	v2 =	vperm.xlane v2, v0;
	_ =	sdelay $0x1  }
0x1ea: {  	v2 =	vadd.s32 v1, v2;
	_ =	sdelay $0x4  }
0x1eb: {  	[tilespmem:s25], [sflag:$0x1] =	stream.indirect_vreg.gather [hbm4b:s1+s3], $0x80, v2, vm0, $0xb8;
	[tilespmem:$0x10100] =	vst v63  }
0x1ec: {  	s17 =	simm.s32 $0x900  }
0x1ed: {  	[tilespmem:s17], [sflag:$0x1] =	stream.indirect_vreg.gather [hbm4b:s5+s3], $0x80, v2, vm0, $0xb8;
	[tilespmem:$0x10100] =	vst v63  }
0x1ee: {  	s17 =	simm.s32 $0x1100  }
0x1ef: {  	[tilespmem:s17], [sflag:$0x1] =	stream.indirect_vreg.gather [hbm4b:s6+s3], $0x80, v2, vm0, $0xb8;
	[tilespmem:$0x10100] =	vst v63  }
0x1f0: {  	s17 =	simm.s32 $0x1900  }
0x1f1: {  	[tilespmem:s17], [sflag:$0x1] =	stream.indirect_vreg.gather [hbm4b:s7+s3], $0x80, v2, vm0, $0xb8;
	[tilespmem:$0x10100] =	vst v63  }
0x1f2: {  	s17 =	simm.s32 $0x2100  }
0x1f3: {  	[tilespmem:s17], [sflag:$0x1] =	stream.indirect_vreg.gather [hbm4b:s8+s3], $0x80, v2, vm0, $0xb8;
	[tilespmem:$0x10100] =	vst v63  }
0x1f4: {  	s17 =	simm.s32 $0x2900  }
0x1f5: {  	[tilespmem:s17], [sflag:$0x1] =	stream.indirect_vreg.gather [hbm4b:s9+s3], $0x80, v2, vm0, $0xb8;
	[tilespmem:$0x10100] =	vst v63  }
0x1f6: {  	s17 =	simm.s32 $0x3100  }
0x1f7: {  	[tilespmem:s17], [sflag:$0x1] =	stream.indirect_vreg.gather [hbm4b:s10+s3], $0x80, v2, vm0, $0xb8;
	[tilespmem:$0x10100] =	vst v63  }
0x1f8: {  	s17 =	simm.s32 $0x3900  }
0x1f9: {  	[tilespmem:s17], [sflag:$0x1] =	stream.indirect_vreg.gather [hbm4b:s11+s3], $0x80, v2, vm0, $0xb8;
	[tilespmem:$0x10100] =	vst v63  }
0x1fa: {  	_ =	swait.ge [sflag:s13], $0x4000  }
0x1fb: {  	[sflag:s13] =	ssyncset.done $0x0  }
0x1fc: {  	s17 =	rddreg [dreg:$0x13];
	[sflag:s13] =	ssyncadd.s32 $0xFFFFC000  }
0x1fd: {  	[hbm4b:s17+s3] =	stream.linear.scatter [tilespmem:s20], [sflag:$0x8], $0x4000, $0x38;
	[tilespmem:$0x10100] =	vst v63  }
0x1fe: {  	_ =	swait.ge [sflag:s4], $0x4000  }
0x1ff: {  	[sflag:s4] =	ssyncset.done $0x0  }
0x200: {  	[sflag:s4] =	ssyncadd.s32 $0xFFFFC000  }
0x201: {  	v2 =	vld.msk [tilespmem:$0x88], $0xff;
	_ =	sdelay $0x4  }
0x202: {  	v3 =	vshll.u32 v2, $0x4  }
0x203: {  	v2 =	vand.u32 $0x7, v2;
	v3 =	vand.u32 $0xFFFFFF80, v3  }
0x204: {  	v2 =	vor.u32 v2, v3  }
0x205: {  	v2 =	vperm.xlane v2, v0;
	_ =	sdelay $0x1  }
0x206: {  	v2 =	vadd.s32 v1, v2;
	_ =	sdelay $0x4  }
0x207: {  	[tilespmem:s22], [sflag:$0x2] =	stream.indirect_vreg.gather [hbm4b:s1+s3], $0x80, v2, vm0, $0xb8;
	[tilespmem:$0x10100] =	vst v63  }
0x208: {  	s24 =	simm.s32 $0x4900  }
0x209: {  	[tilespmem:s24], [sflag:$0x2] =	stream.indirect_vreg.gather [hbm4b:s5+s3], $0x80, v2, vm0, $0xb8;
	[tilespmem:$0x10100] =	vst v63  }
0x20a: {  	s26 =	simm.s32 $0x5100  }
0x20b: {  	[tilespmem:s26], [sflag:$0x2] =	stream.indirect_vreg.gather [hbm4b:s6+s3], $0x80, v2, vm0, $0xb8;
	[tilespmem:$0x10100] =	vst v63  }
0x20c: {  	s28 =	simm.s32 $0x5900  }
0x20d: {  	[tilespmem:s28], [sflag:$0x2] =	stream.indirect_vreg.gather [hbm4b:s7+s3], $0x80, v2, vm0, $0xb8;
	[tilespmem:$0x10100] =	vst v63  }
0x20e: {  	s14 =	simm.s32 $0x6100  }
0x20f: {  	[tilespmem:s14], [sflag:$0x2] =	stream.indirect_vreg.gather [hbm4b:s8+s3], $0x80, v2, vm0, $0xb8;
	[tilespmem:$0x10100] =	vst v63  }
0x210: {  	s18 =	simm.s32 $0x6900  }
0x211: {  	[tilespmem:s18], [sflag:$0x2] =	stream.indirect_vreg.gather [hbm4b:s9+s3], $0x80, v2, vm0, $0xb8;
	[tilespmem:$0x10100] =	vst v63  }
0x212: {  	s21 =	simm.s32 $0x7100  }
0x213: {  	[tilespmem:s21], [sflag:$0x2] =	stream.indirect_vreg.gather [hbm4b:s10+s3], $0x80, v2, vm0, $0xb8;
	[tilespmem:$0x10100] =	vst v63  }
0x214: {  	s17 =	simm.s32 $0x7900  }
0x215: {  	[tilespmem:s17], [sflag:$0x2] =	stream.indirect_vreg.gather [hbm4b:s11+s3], $0x80, v2, vm0, $0xb8;
	[tilespmem:$0x10100] =	vst v63  }
0x216: {  	_ =	swait.ge [sflag:s31], $0x4000  }
0x217: {  	[sflag:s31] =	ssyncset.done $0x0  }
0x218: {  	s17 =	rddreg [dreg:$0x14];
	[sflag:s31] =	ssyncadd.s32 $0xFFFFC000  }
0x219: {  	[hbm4b:s17+s3] =	stream.linear.scatter [tilespmem:s25], [sflag:$0x5], $0x4000, $0x38;
	[tilespmem:$0x10100] =	vst v63  }
0x21a: {  	_ =	swait.ge [sflag:s15], $0x4000  }
0x21b: {  	[sflag:s15] =	ssyncset.done $0x0  }
0x21c: {  	[sflag:s15] =	ssyncadd.s32 $0xFFFFC000  }
0x21d: {  	v2 =	vld.msk [tilespmem:$0x90], $0xff;
	_ =	sdelay $0x4  }
0x21e: {  	v3 =	vshll.u32 v2, $0x4  }
0x21f: {  	v2 =	vand.u32 $0x7, v2;
	v3 =	vand.u32 $0xFFFFFF80, v3  }
0x220: {  	v2 =	vor.u32 v2, v3  }
0x221: {  	v2 =	vperm.xlane v2, v0;
	_ =	sdelay $0x1  }
0x222: {  	v2 =	vadd.s32 v1, v2;
	_ =	sdelay $0x4  }
0x223: {  	[tilespmem:s2], [sflag:$0x3] =	stream.indirect_vreg.gather [hbm4b:s1+s3], $0x80, v2, vm0, $0xb8;
	[tilespmem:$0x10100] =	vst v63  }
0x224: {  	s17 =	simm.s32 $0x8900  }
0x225: {  	[tilespmem:s17], [sflag:$0x3] =	stream.indirect_vreg.gather [hbm4b:s5+s3], $0x80, v2, vm0, $0xb8;
	[tilespmem:$0x10100] =	vst v63  }
0x226: {  	s17 =	simm.s32 $0x9100  }
0x227: {  	[tilespmem:s17], [sflag:$0x3] =	stream.indirect_vreg.gather [hbm4b:s6+s3], $0x80, v2, vm0, $0xb8;
	[tilespmem:$0x10100] =	vst v63  }
0x228: {  	s17 =	simm.s32 $0x9900  }
0x229: {  	[tilespmem:s17], [sflag:$0x3] =	stream.indirect_vreg.gather [hbm4b:s7+s3], $0x80, v2, vm0, $0xb8;
	[tilespmem:$0x10100] =	vst v63  }
0x22a: {  	s17 =	simm.s32 $0xA100  }
0x22b: {  	[tilespmem:s17], [sflag:$0x3] =	stream.indirect_vreg.gather [hbm4b:s8+s3], $0x80, v2, vm0, $0xb8;
	[tilespmem:$0x10100] =	vst v63  }
0x22c: {  	s17 =	simm.s32 $0xA900  }
0x22d: {  	[tilespmem:s17], [sflag:$0x3] =	stream.indirect_vreg.gather [hbm4b:s9+s3], $0x80, v2, vm0, $0xb8;
	[tilespmem:$0x10100] =	vst v63  }
0x22e: {  	s17 =	simm.s32 $0xB100  }
0x22f: {  	[tilespmem:s17], [sflag:$0x3] =	stream.indirect_vreg.gather [hbm4b:s10+s3], $0x80, v2, vm0, $0xb8;
	[tilespmem:$0x10100] =	vst v63  }
0x230: {  	s17 =	simm.s32 $0xB900  }
0x231: {  	[tilespmem:s17], [sflag:$0x3] =	stream.indirect_vreg.gather [hbm4b:s11+s3], $0x80, v2, vm0, $0xb8;
	[tilespmem:$0x10100] =	vst v63  }
0x232: {  	_ =	swait.ge [sflag:s19], $0x4000  }
0x233: {  	[sflag:s19] =	ssyncset.done $0x0  }
0x234: {  	s17 =	rddreg [dreg:$0x15];
	[sflag:s19] =	ssyncadd.s32 $0xFFFFC000  }
0x235: {  	[hbm4b:s17+s3] =	stream.linear.scatter [tilespmem:s22], [sflag:$0x6], $0x4000, $0x38;
	[tilespmem:$0x10100] =	vst v63  }
0x236: {  	_ =	swait.ge [sflag:s16], $0x4000  }
0x237: {  	[sflag:s16] =	ssyncset.done $0x0  }
0x238: {  	[sflag:s16] =	ssyncadd.s32 $0xFFFFC000  }
0x239: {  	v2 =	vld.msk [tilespmem:$0x98], $0xff;
	_ =	sdelay $0x4  }
0x23a: {  	v3 =	vshll.u32 v2, $0x4  }
0x23b: {  	v2 =	vand.u32 $0x7, v2;
	v3 =	vand.u32 $0xFFFFFF80, v3  }
0x23c: {  	v2 =	vor.u32 v2, v3  }
0x23d: {  	v2 =	vperm.xlane v2, v0;
	_ =	sdelay $0x1  }
0x23e: {  	v2 =	vadd.s32 v1, v2;
	_ =	sdelay $0x4  }
0x23f: {  	[tilespmem:s20], [sflag:$0x4] =	stream.indirect_vreg.gather [hbm4b:s1+s3], $0x80, v2, vm0, $0xb8;
	[tilespmem:$0x10100] =	vst v63  }
0x240: {  	s12 =	simm.s32 $0xC900  }
0x241: {  	[tilespmem:s12], [sflag:$0x4] =	stream.indirect_vreg.gather [hbm4b:s5+s3], $0x80, v2, vm0, $0xb8;
	[tilespmem:$0x10100] =	vst v63  }
0x242: {  	s23 =	simm.s32 $0xD100  }
0x243: {  	[tilespmem:s23], [sflag:$0x4] =	stream.indirect_vreg.gather [hbm4b:s6+s3], $0x80, v2, vm0, $0xb8;
	[tilespmem:$0x10100] =	vst v63  }
0x244: {  	s29 =	simm.s32 $0xD900  }
0x245: {  	[tilespmem:s29], [sflag:$0x4] =	stream.indirect_vreg.gather [hbm4b:s7+s3], $0x80, v2, vm0, $0xb8;
	[tilespmem:$0x10100] =	vst v63  }
0x246: {  	s17 =	simm.s32 $0xE100  }
0x247: {  	[tilespmem:s17], [sflag:$0x4] =	stream.indirect_vreg.gather [hbm4b:s8+s3], $0x80, v2, vm0, $0xb8;
	[tilespmem:$0x10100] =	vst v63  }
0x248: {  	s17 =	simm.s32 $0xE900  }
0x249: {  	[tilespmem:s17], [sflag:$0x4] =	stream.indirect_vreg.gather [hbm4b:s9+s3], $0x80, v2, vm0, $0xb8;
	[tilespmem:$0x10100] =	vst v63  }
0x24a: {  	s17 =	simm.s32 $0xF100  }
0x24b: {  	[tilespmem:s17], [sflag:$0x4] =	stream.indirect_vreg.gather [hbm4b:s10+s3], $0x80, v2, vm0, $0xb8;
	[tilespmem:$0x10100] =	vst v63  }
0x24c: {  	s17 =	simm.s32 $0xF900  }
0x24d: {  	[tilespmem:s17], [sflag:$0x4] =	stream.indirect_vreg.gather [hbm4b:s11+s3], $0x80, v2, vm0, $0xb8;
	[tilespmem:$0x10100] =	vst v63  }
0x24e: {  	_ =	swait.ge [sflag:s30], $0x4000  }
0x24f: {  	[sflag:s30] =	ssyncset.done $0x0  }
0x250: {  	s17 =	rddreg [dreg:$0x16];
	[sflag:s30] =	ssyncadd.s32 $0xFFFFC000  }
0x251: {  	[hbm4b:s17+s3] =	stream.linear.scatter [tilespmem:s2], [sflag:$0x7], $0x4000, $0x38;
	[tilespmem:$0x10100] =	vst v63  }
0x252: {  	_ =	swait.ge [sflag:s0], $0x4000  }
0x253: {  	[sflag:s0] =	ssyncset.done $0x0  }
0x254: {  	[sflag:s0] =	ssyncadd.s32 $0xFFFFC000  }
0x255: {  	v2 =	vld.msk [tilespmem:$0xA0], $0xff;
	_ =	sdelay $0x4  }
0x256: {  	v3 =	vshll.u32 v2, $0x4  }
0x257: {  	v2 =	vand.u32 $0x7, v2;
	v3 =	vand.u32 $0xFFFFFF80, v3  }
0x258: {  	v2 =	vor.u32 v2, v3  }
0x259: {  	v2 =	vperm.xlane v2, v0;
	_ =	sdelay $0x1  }
0x25a: {  	v2 =	vadd.s32 v1, v2;
	_ =	sdelay $0x4  }
0x25b: {  	[tilespmem:s25], [sflag:$0x1] =	stream.indirect_vreg.gather [hbm4b:s1+s3], $0x80, v2, vm0, $0xb8;
	[tilespmem:$0x10100] =	vst v63  }
0x25c: {  	s17 =	simm.s32 $0x900  }
0x25d: {  	[tilespmem:s17], [sflag:$0x1] =	stream.indirect_vreg.gather [hbm4b:s5+s3], $0x80, v2, vm0, $0xb8;
	[tilespmem:$0x10100] =	vst v63  }
0x25e: {  	s17 =	simm.s32 $0x1100  }
0x25f: {  	[tilespmem:s17], [sflag:$0x1] =	stream.indirect_vreg.gather [hbm4b:s6+s3], $0x80, v2, vm0, $0xb8;
	[tilespmem:$0x10100] =	vst v63  }
0x260: {  	s17 =	simm.s32 $0x1900  }
0x261: {  	[tilespmem:s17], [sflag:$0x1] =	stream.indirect_vreg.gather [hbm4b:s7+s3], $0x80, v2, vm0, $0xb8;
	[tilespmem:$0x10100] =	vst v63  }
0x262: {  	s17 =	simm.s32 $0x2100  }
0x263: {  	[tilespmem:s17], [sflag:$0x1] =	stream.indirect_vreg.gather [hbm4b:s8+s3], $0x80, v2, vm0, $0xb8;
	[tilespmem:$0x10100] =	vst v63  }
0x264: {  	s17 =	simm.s32 $0x2900  }
0x265: {  	[tilespmem:s17], [sflag:$0x1] =	stream.indirect_vreg.gather [hbm4b:s9+s3], $0x80, v2, vm0, $0xb8;
	[tilespmem:$0x10100] =	vst v63  }
0x266: {  	s17 =	simm.s32 $0x3100  }
0x267: {  	[tilespmem:s17], [sflag:$0x1] =	stream.indirect_vreg.gather [hbm4b:s10+s3], $0x80, v2, vm0, $0xb8;
	[tilespmem:$0x10100] =	vst v63  }
0x268: {  	s17 =	simm.s32 $0x3900  }
0x269: {  	[tilespmem:s17], [sflag:$0x1] =	stream.indirect_vreg.gather [hbm4b:s11+s3], $0x80, v2, vm0, $0xb8;
	[tilespmem:$0x10100] =	vst v63  }
0x26a: {  	_ =	swait.ge [sflag:s13], $0x4000  }
0x26b: {  	[sflag:s13] =	ssyncset.done $0x0  }
0x26c: {  	s17 =	rddreg [dreg:$0x17];
	[sflag:s13] =	ssyncadd.s32 $0xFFFFC000  }
0x26d: {  	[hbm4b:s17+s3] =	stream.linear.scatter [tilespmem:s20], [sflag:$0x8], $0x4000, $0x38;
	[tilespmem:$0x10100] =	vst v63  }
0x26e: {  	_ =	swait.ge [sflag:s4], $0x4000  }
0x26f: {  	[sflag:s4] =	ssyncset.done $0x0  }
0x270: {  	[sflag:s4] =	ssyncadd.s32 $0xFFFFC000  }
0x271: {  	v2 =	vld.msk [tilespmem:$0xA8], $0xff;
	_ =	sdelay $0x4  }
0x272: {  	v3 =	vshll.u32 v2, $0x4  }
0x273: {  	v2 =	vand.u32 $0x7, v2;
	v3 =	vand.u32 $0xFFFFFF80, v3  }
0x274: {  	v2 =	vor.u32 v2, v3  }
0x275: {  	v2 =	vperm.xlane v2, v0;
	_ =	sdelay $0x1  }
0x276: {  	v2 =	vadd.s32 v1, v2;
	_ =	sdelay $0x4  }
0x277: {  	[tilespmem:s22], [sflag:$0x2] =	stream.indirect_vreg.gather [hbm4b:s1+s3], $0x80, v2, vm0, $0xb8;
	[tilespmem:$0x10100] =	vst v63  }
0x278: {  	s24 =	simm.s32 $0x4900  }
0x279: {  	[tilespmem:s24], [sflag:$0x2] =	stream.indirect_vreg.gather [hbm4b:s5+s3], $0x80, v2, vm0, $0xb8;
	[tilespmem:$0x10100] =	vst v63  }
0x27a: {  	s26 =	simm.s32 $0x5100  }
0x27b: {  	[tilespmem:s26], [sflag:$0x2] =	stream.indirect_vreg.gather [hbm4b:s6+s3], $0x80, v2, vm0, $0xb8;
	[tilespmem:$0x10100] =	vst v63  }
0x27c: {  	s28 =	simm.s32 $0x5900  }
0x27d: {  	[tilespmem:s28], [sflag:$0x2] =	stream.indirect_vreg.gather [hbm4b:s7+s3], $0x80, v2, vm0, $0xb8;
	[tilespmem:$0x10100] =	vst v63  }
0x27e: {  	s14 =	simm.s32 $0x6100  }
0x27f: {  	[tilespmem:s14], [sflag:$0x2] =	stream.indirect_vreg.gather [hbm4b:s8+s3], $0x80, v2, vm0, $0xb8;
	[tilespmem:$0x10100] =	vst v63  }
0x280: {  	s18 =	simm.s32 $0x6900  }
0x281: {  	[tilespmem:s18], [sflag:$0x2] =	stream.indirect_vreg.gather [hbm4b:s9+s3], $0x80, v2, vm0, $0xb8;
	[tilespmem:$0x10100] =	vst v63  }
0x282: {  	s21 =	simm.s32 $0x7100  }
0x283: {  	[tilespmem:s21], [sflag:$0x2] =	stream.indirect_vreg.gather [hbm4b:s10+s3], $0x80, v2, vm0, $0xb8;
	[tilespmem:$0x10100] =	vst v63  }
0x284: {  	s28 =	simm.s32 $0x7900  }
0x285: {  	[tilespmem:s28], [sflag:$0x2] =	stream.indirect_vreg.gather [hbm4b:s11+s3], $0x80, v2, vm0, $0xb8;
	[tilespmem:$0x10100] =	vst v63  }
0x286: {  	_ =	swait.ge [sflag:s31], $0x4000  }
0x287: {  	[sflag:s31] =	ssyncset.done $0x0  }
0x288: {  	s14 =	rddreg [dreg:$0x18];
	[sflag:s31] =	ssyncadd.s32 $0xFFFFC000  }
0x289: {  	[hbm4b:s14+s3] =	stream.linear.scatter [tilespmem:s25], [sflag:$0x5], $0x4000, $0x38;
	[tilespmem:$0x10100] =	vst v63  }
0x28a: {  	_ =	swait.ge [sflag:s15], $0x4000  }
0x28b: {  	[sflag:s15] =	ssyncset.done $0x0  }
0x28c: {  	[sflag:s15] =	ssyncadd.s32 $0xFFFFC000  }
0x28d: {  	v2 =	vld.msk [tilespmem:$0xB0], $0xff;
	_ =	sdelay $0x4  }
0x28e: {  	v3 =	vshll.u32 v2, $0x4  }
0x28f: {  	v2 =	vand.u32 $0x7, v2;
	v3 =	vand.u32 $0xFFFFFF80, v3  }
0x290: {  	v2 =	vor.u32 v2, v3  }
0x291: {  	v2 =	vperm.xlane v2, v0;
	_ =	sdelay $0x1  }
0x292: {  	v2 =	vadd.s32 v1, v2;
	_ =	sdelay $0x4  }
0x293: {  	[tilespmem:s2], [sflag:$0x3] =	stream.indirect_vreg.gather [hbm4b:s1+s3], $0x80, v2, vm0, $0xb8;
	[tilespmem:$0x10100] =	vst v63  }
0x294: {  	s28 =	simm.s32 $0x8900  }
0x295: {  	[tilespmem:s28], [sflag:$0x3] =	stream.indirect_vreg.gather [hbm4b:s5+s3], $0x80, v2, vm0, $0xb8;
	[tilespmem:$0x10100] =	vst v63  }
0x296: {  	s17 =	simm.s32 $0x9100  }
0x297: {  	[tilespmem:s17], [sflag:$0x3] =	stream.indirect_vreg.gather [hbm4b:s6+s3], $0x80, v2, vm0, $0xb8;
	[tilespmem:$0x10100] =	vst v63  }
0x298: {  	s28 =	simm.s32 $0x9900  }
0x299: {  	[tilespmem:s28], [sflag:$0x3] =	stream.indirect_vreg.gather [hbm4b:s7+s3], $0x80, v2, vm0, $0xb8;
	[tilespmem:$0x10100] =	vst v63  }
0x29a: {  	s17 =	simm.s32 $0xA100  }
0x29b: {  	[tilespmem:s17], [sflag:$0x3] =	stream.indirect_vreg.gather [hbm4b:s8+s3], $0x80, v2, vm0, $0xb8;
	[tilespmem:$0x10100] =	vst v63  }
0x29c: {  	s28 =	simm.s32 $0xA900  }
0x29d: {  	[tilespmem:s28], [sflag:$0x3] =	stream.indirect_vreg.gather [hbm4b:s9+s3], $0x80, v2, vm0, $0xb8;
	[tilespmem:$0x10100] =	vst v63  }
0x29e: {  	s17 =	simm.s32 $0xB100  }
0x29f: {  	[tilespmem:s17], [sflag:$0x3] =	stream.indirect_vreg.gather [hbm4b:s10+s3], $0x80, v2, vm0, $0xb8;
	[tilespmem:$0x10100] =	vst v63  }
0x2a0: {  	s28 =	simm.s32 $0xB900  }
0x2a1: {  	[tilespmem:s28], [sflag:$0x3] =	stream.indirect_vreg.gather [hbm4b:s11+s3], $0x80, v2, vm0, $0xb8;
	[tilespmem:$0x10100] =	vst v63  }
0x2a2: {  	_ =	swait.ge [sflag:s19], $0x4000  }
0x2a3: {  	[sflag:s19] =	ssyncset.done $0x0  }
0x2a4: {  	s14 =	rddreg [dreg:$0x19];
	[sflag:s19] =	ssyncadd.s32 $0xFFFFC000  }
0x2a5: {  	[hbm4b:s14+s3] =	stream.linear.scatter [tilespmem:s22], [sflag:$0x6], $0x4000, $0x38;
	[tilespmem:$0x10100] =	vst v63  }
0x2a6: {  	_ =	swait.ge [sflag:s16], $0x4000  }
0x2a7: {  	[sflag:s16] =	ssyncset.done $0x0  }
0x2a8: {  	[sflag:s16] =	ssyncadd.s32 $0xFFFFC000  }
0x2a9: {  	v2 =	vld.msk [tilespmem:$0xB8], $0xff;
	_ =	sdelay $0x4  }
0x2aa: {  	v3 =	vshll.u32 v2, $0x4  }
0x2ab: {  	v2 =	vand.u32 $0x7, v2;
	v3 =	vand.u32 $0xFFFFFF80, v3  }
0x2ac: {  	v2 =	vor.u32 v2, v3  }
0x2ad: {  	v2 =	vperm.xlane v2, v0;
	_ =	sdelay $0x1  }
0x2ae: {  	v2 =	vadd.s32 v1, v2;
	_ =	sdelay $0x4  }
0x2af: {  	[tilespmem:s20], [sflag:$0x4] =	stream.indirect_vreg.gather [hbm4b:s1+s3], $0x80, v2, vm0, $0xb8;
	[tilespmem:$0x10100] =	vst v63  }
0x2b0: {  	s12 =	simm.s32 $0xC900  }
0x2b1: {  	[tilespmem:s12], [sflag:$0x4] =	stream.indirect_vreg.gather [hbm4b:s5+s3], $0x80, v2, vm0, $0xb8;
	[tilespmem:$0x10100] =	vst v63  }
0x2b2: {  	s23 =	simm.s32 $0xD100  }
0x2b3: {  	[tilespmem:s23], [sflag:$0x4] =	stream.indirect_vreg.gather [hbm4b:s6+s3], $0x80, v2, vm0, $0xb8;
	[tilespmem:$0x10100] =	vst v63  }
0x2b4: {  	s29 =	simm.s32 $0xD900  }
0x2b5: {  	[tilespmem:s29], [sflag:$0x4] =	stream.indirect_vreg.gather [hbm4b:s7+s3], $0x80, v2, vm0, $0xb8;
	[tilespmem:$0x10100] =	vst v63  }
0x2b6: {  	s23 =	simm.s32 $0xE100  }
0x2b7: {  	[tilespmem:s23], [sflag:$0x4] =	stream.indirect_vreg.gather [hbm4b:s8+s3], $0x80, v2, vm0, $0xb8;
	[tilespmem:$0x10100] =	vst v63  }
0x2b8: {  	s29 =	simm.s32 $0xE900  }
0x2b9: {  	[tilespmem:s29], [sflag:$0x4] =	stream.indirect_vreg.gather [hbm4b:s9+s3], $0x80, v2, vm0, $0xb8;
	[tilespmem:$0x10100] =	vst v63  }
0x2ba: {  	s14 =	simm.s32 $0xF100  }
0x2bb: {  	[tilespmem:s14], [sflag:$0x4] =	stream.indirect_vreg.gather [hbm4b:s10+s3], $0x80, v2, vm0, $0xb8;
	[tilespmem:$0x10100] =	vst v63  }
0x2bc: {  	s17 =	simm.s32 $0xF900  }
0x2bd: {  	[tilespmem:s17], [sflag:$0x4] =	stream.indirect_vreg.gather [hbm4b:s11+s3], $0x80, v2, vm0, $0xb8;
	[tilespmem:$0x10100] =	vst v63  }
0x2be: {  	_ =	swait.ge [sflag:s30], $0x4000  }
0x2bf: {  	[sflag:s30] =	ssyncset.done $0x0  }
0x2c0: {  	s23 =	rddreg [dreg:$0x1a];
	[sflag:s30] =	ssyncadd.s32 $0xFFFFC000  }
0x2c1: {  	[hbm4b:s23+s3] =	stream.linear.scatter [tilespmem:s2], [sflag:$0x7], $0x4000, $0x38;
	[tilespmem:$0x10100] =	vst v63  }
0x2c2: {  	_ =	swait.ge [sflag:s0], $0x4000  }
0x2c3: {  	[sflag:s0] =	ssyncset.done $0x0  }
0x2c4: {  	[sflag:s0] =	ssyncadd.s32 $0xFFFFC000  }
0x2c5: {  	v2 =	vld.msk [tilespmem:$0xC0], $0xff;
	_ =	sdelay $0x4  }
0x2c6: {  	v3 =	vshll.u32 v2, $0x4  }
0x2c7: {  	v2 =	vand.u32 $0x7, v2;
	v3 =	vand.u32 $0xFFFFFF80, v3  }
0x2c8: {  	v2 =	vor.u32 v2, v3  }
0x2c9: {  	v2 =	vperm.xlane v2, v0;
	_ =	sdelay $0x1  }
0x2ca: {  	v2 =	vadd.s32 v1, v2;
	_ =	sdelay $0x4  }
0x2cb: {  	[tilespmem:s25], [sflag:$0x1] =	stream.indirect_vreg.gather [hbm4b:s1+s3], $0x80, v2, vm0, $0xb8;
	[tilespmem:$0x10100] =	vst v63  }
0x2cc: {  	s29 =	simm.s32 $0x900  }
0x2cd: {  	[tilespmem:s29], [sflag:$0x1] =	stream.indirect_vreg.gather [hbm4b:s5+s3], $0x80, v2, vm0, $0xb8;
	[tilespmem:$0x10100] =	vst v63  }
0x2ce: {  	s14 =	simm.s32 $0x1100  }
0x2cf: {  	[tilespmem:s14], [sflag:$0x1] =	stream.indirect_vreg.gather [hbm4b:s6+s3], $0x80, v2, vm0, $0xb8;
	[tilespmem:$0x10100] =	vst v63  }
0x2d0: {  	s17 =	simm.s32 $0x1900  }
0x2d1: {  	[tilespmem:s17], [sflag:$0x1] =	stream.indirect_vreg.gather [hbm4b:s7+s3], $0x80, v2, vm0, $0xb8;
	[tilespmem:$0x10100] =	vst v63  }
0x2d2: {  	s23 =	simm.s32 $0x2100  }
0x2d3: {  	[tilespmem:s23], [sflag:$0x1] =	stream.indirect_vreg.gather [hbm4b:s8+s3], $0x80, v2, vm0, $0xb8;
	[tilespmem:$0x10100] =	vst v63  }
0x2d4: {  	s29 =	simm.s32 $0x2900  }
0x2d5: {  	[tilespmem:s29], [sflag:$0x1] =	stream.indirect_vreg.gather [hbm4b:s9+s3], $0x80, v2, vm0, $0xb8;
	[tilespmem:$0x10100] =	vst v63  }
0x2d6: {  	s14 =	simm.s32 $0x3100  }
0x2d7: {  	[tilespmem:s14], [sflag:$0x1] =	stream.indirect_vreg.gather [hbm4b:s10+s3], $0x80, v2, vm0, $0xb8;
	[tilespmem:$0x10100] =	vst v63  }
0x2d8: {  	s17 =	simm.s32 $0x3900  }
0x2d9: {  	[tilespmem:s17], [sflag:$0x1] =	stream.indirect_vreg.gather [hbm4b:s11+s3], $0x80, v2, vm0, $0xb8;
	[tilespmem:$0x10100] =	vst v63  }
0x2da: {  	_ =	swait.ge [sflag:s13], $0x4000  }
0x2db: {  	[sflag:s13] =	ssyncset.done $0x0  }
0x2dc: {  	s23 =	rddreg [dreg:$0x1b];
	[sflag:s13] =	ssyncadd.s32 $0xFFFFC000  }
0x2dd: {  	[hbm4b:s23+s3] =	stream.linear.scatter [tilespmem:s20], [sflag:$0x8], $0x4000, $0x38;
	[tilespmem:$0x10100] =	vst v63  }
0x2de: {  	_ =	swait.ge [sflag:s4], $0x4000  }
0x2df: {  	[sflag:s4] =	ssyncset.done $0x0  }
0x2e0: {  	[sflag:s4] =	ssyncadd.s32 $0xFFFFC000  }
0x2e1: {  	v2 =	vld.msk [tilespmem:$0xC8], $0xff;
	_ =	sdelay $0x4  }
0x2e2: {  	v3 =	vshll.u32 v2, $0x4  }
0x2e3: {  	v2 =	vand.u32 $0x7, v2;
	v3 =	vand.u32 $0xFFFFFF80, v3  }
0x2e4: {  	v2 =	vor.u32 v2, v3  }
0x2e5: {  	v2 =	vperm.xlane v2, v0;
	_ =	sdelay $0x1  }
0x2e6: {  	v2 =	vadd.s32 v1, v2;
	_ =	sdelay $0x4  }
0x2e7: {  	[tilespmem:s22], [sflag:$0x2] =	stream.indirect_vreg.gather [hbm4b:s1+s3], $0x80, v2, vm0, $0xb8;
	[tilespmem:$0x10100] =	vst v63  }
0x2e8: {  	s24 =	simm.s32 $0x4900  }
0x2e9: {  	[tilespmem:s24], [sflag:$0x2] =	stream.indirect_vreg.gather [hbm4b:s5+s3], $0x80, v2, vm0, $0xb8;
	[tilespmem:$0x10100] =	vst v63  }
0x2ea: {  	s24 =	simm.s32 $0x5100  }
0x2eb: {  	[tilespmem:s24], [sflag:$0x2] =	stream.indirect_vreg.gather [hbm4b:s6+s3], $0x80, v2, vm0, $0xb8;
	[tilespmem:$0x10100] =	vst v63  }
0x2ec: {  	s29 =	simm.s32 $0x5900  }
0x2ed: {  	[tilespmem:s29], [sflag:$0x2] =	stream.indirect_vreg.gather [hbm4b:s7+s3], $0x80, v2, vm0, $0xb8;
	[tilespmem:$0x10100] =	vst v63  }
0x2ee: {  	s26 =	simm.s32 $0x6100  }
0x2ef: {  	[tilespmem:s26], [sflag:$0x2] =	stream.indirect_vreg.gather [hbm4b:s8+s3], $0x80, v2, vm0, $0xb8;
	[tilespmem:$0x10100] =	vst v63  }
0x2f0: {  	s18 =	simm.s32 $0x6900  }
0x2f1: {  	[tilespmem:s18], [sflag:$0x2] =	stream.indirect_vreg.gather [hbm4b:s9+s3], $0x80, v2, vm0, $0xb8;
	[tilespmem:$0x10100] =	vst v63  }
0x2f2: {  	s21 =	simm.s32 $0x7100  }
0x2f3: {  	[tilespmem:s21], [sflag:$0x2] =	stream.indirect_vreg.gather [hbm4b:s10+s3], $0x80, v2, vm0, $0xb8;
	[tilespmem:$0x10100] =	vst v63  }
0x2f4: {  	s21 =	simm.s32 $0x7900  }
0x2f5: {  	[tilespmem:s21], [sflag:$0x2] =	stream.indirect_vreg.gather [hbm4b:s11+s3], $0x80, v2, vm0, $0xb8;
	[tilespmem:$0x10100] =	vst v63  }
0x2f6: {  	_ =	swait.ge [sflag:s31], $0x4000  }
0x2f7: {  	[sflag:s31] =	ssyncset.done $0x0  }
0x2f8: {  	s21 =	rddreg [dreg:$0x1c];
	[sflag:s31] =	ssyncadd.s32 $0xFFFFC000  }
0x2f9: {  	[hbm4b:s21+s3] =	stream.linear.scatter [tilespmem:s25], [sflag:$0x5], $0x4000, $0x38;
	[tilespmem:$0x10100] =	vst v63  }
0x2fa: {  	_ =	swait.ge [sflag:s15], $0x4000  }
0x2fb: {  	[sflag:s15] =	ssyncset.done $0x0  }
0x2fc: {  	[sflag:s15] =	ssyncadd.s32 $0xFFFFC000  }
0x2fd: {  	v2 =	vld.msk [tilespmem:$0xD0], $0xff;
	_ =	sdelay $0x4  }
0x2fe: {  	v3 =	vshll.u32 v2, $0x4  }
0x2ff: {  	v2 =	vand.u32 $0x7, v2;
	v3 =	vand.u32 $0xFFFFFF80, v3  }
0x300: {  	v2 =	vor.u32 v2, v3  }
0x301: {  	v2 =	vperm.xlane v2, v0;
	_ =	sdelay $0x1  }
0x302: {  	v2 =	vadd.s32 v1, v2;
	_ =	sdelay $0x4  }
0x303: {  	[tilespmem:s2], [sflag:$0x3] =	stream.indirect_vreg.gather [hbm4b:s1+s3], $0x80, v2, vm0, $0xb8;
	[tilespmem:$0x10100] =	vst v63  }
0x304: {  	s21 =	simm.s32 $0x8900  }
0x305: {  	[tilespmem:s21], [sflag:$0x3] =	stream.indirect_vreg.gather [hbm4b:s5+s3], $0x80, v2, vm0, $0xb8;
	[tilespmem:$0x10100] =	vst v63  }
0x306: {  	s21 =	simm.s32 $0x9100  }
0x307: {  	[tilespmem:s21], [sflag:$0x3] =	stream.indirect_vreg.gather [hbm4b:s6+s3], $0x80, v2, vm0, $0xb8;
	[tilespmem:$0x10100] =	vst v63  }
0x308: {  	s21 =	simm.s32 $0x9900  }
0x309: {  	[tilespmem:s21], [sflag:$0x3] =	stream.indirect_vreg.gather [hbm4b:s7+s3], $0x80, v2, vm0, $0xb8;
	[tilespmem:$0x10100] =	vst v63  }
0x30a: {  	s21 =	simm.s32 $0xA100  }
0x30b: {  	[tilespmem:s21], [sflag:$0x3] =	stream.indirect_vreg.gather [hbm4b:s8+s3], $0x80, v2, vm0, $0xb8;
	[tilespmem:$0x10100] =	vst v63  }
0x30c: {  	s21 =	simm.s32 $0xA900  }
0x30d: {  	[tilespmem:s21], [sflag:$0x3] =	stream.indirect_vreg.gather [hbm4b:s9+s3], $0x80, v2, vm0, $0xb8;
	[tilespmem:$0x10100] =	vst v63  }
0x30e: {  	s21 =	simm.s32 $0xB100  }
0x30f: {  	[tilespmem:s21], [sflag:$0x3] =	stream.indirect_vreg.gather [hbm4b:s10+s3], $0x80, v2, vm0, $0xb8;
	[tilespmem:$0x10100] =	vst v63  }
0x310: {  	s21 =	simm.s32 $0xB900  }
0x311: {  	[tilespmem:s21], [sflag:$0x3] =	stream.indirect_vreg.gather [hbm4b:s11+s3], $0x80, v2, vm0, $0xb8;
	[tilespmem:$0x10100] =	vst v63  }
0x312: {  	_ =	swait.ge [sflag:s19], $0x4000  }
0x313: {  	[sflag:s19] =	ssyncset.done $0x0  }
0x314: {  	s21 =	rddreg [dreg:$0x1d];
	[sflag:s19] =	ssyncadd.s32 $0xFFFFC000  }
0x315: {  	[hbm4b:s21+s3] =	stream.linear.scatter [tilespmem:s22], [sflag:$0x6], $0x4000, $0x38;
	[tilespmem:$0x10100] =	vst v63  }
0x316: {  	_ =	swait.ge [sflag:s16], $0x4000  }
0x317: {  	[sflag:s16] =	ssyncset.done $0x0  }
0x318: {  	[sflag:s16] =	ssyncadd.s32 $0xFFFFC000  }
0x319: {  	v2 =	vld.msk [tilespmem:$0xD8], $0xff;
	_ =	sdelay $0x4  }
0x31a: {  	v3 =	vshll.u32 v2, $0x4  }
0x31b: {  	v2 =	vand.u32 $0x7, v2;
	v3 =	vand.u32 $0xFFFFFF80, v3  }
0x31c: {  	v2 =	vor.u32 v2, v3  }
0x31d: {  	v2 =	vperm.xlane v2, v0;
	_ =	sdelay $0x1  }
0x31e: {  	v2 =	vadd.s32 v1, v2;
	_ =	sdelay $0x4  }
0x31f: {  	[tilespmem:s20], [sflag:$0x4] =	stream.indirect_vreg.gather [hbm4b:s1+s3], $0x80, v2, vm0, $0xb8;
	[tilespmem:$0x10100] =	vst v63  }
0x320: {  	s28 =	simm.s32 $0xC900  }
0x321: {  	[tilespmem:s28], [sflag:$0x4] =	stream.indirect_vreg.gather [hbm4b:s5+s3], $0x80, v2, vm0, $0xb8;
	[tilespmem:$0x10100] =	vst v63  }
0x322: {  	s28 =	simm.s32 $0xD100  }
0x323: {  	[tilespmem:s28], [sflag:$0x4] =	stream.indirect_vreg.gather [hbm4b:s6+s3], $0x80, v2, vm0, $0xb8;
	[tilespmem:$0x10100] =	vst v63  }
0x324: {  	s17 =	simm.s32 $0xD900  }
0x325: {  	[tilespmem:s17], [sflag:$0x4] =	stream.indirect_vreg.gather [hbm4b:s7+s3], $0x80, v2, vm0, $0xb8;
	[tilespmem:$0x10100] =	vst v63  }
0x326: {  	s17 =	simm.s32 $0xE100  }
0x327: {  	[tilespmem:s17], [sflag:$0x4] =	stream.indirect_vreg.gather [hbm4b:s8+s3], $0x80, v2, vm0, $0xb8;
	[tilespmem:$0x10100] =	vst v63  }
0x328: {  	s17 =	simm.s32 $0xE900  }
0x329: {  	[tilespmem:s17], [sflag:$0x4] =	stream.indirect_vreg.gather [hbm4b:s9+s3], $0x80, v2, vm0, $0xb8;
	[tilespmem:$0x10100] =	vst v63  }
0x32a: {  	s17 =	simm.s32 $0xF100  }
0x32b: {  	[tilespmem:s17], [sflag:$0x4] =	stream.indirect_vreg.gather [hbm4b:s10+s3], $0x80, v2, vm0, $0xb8;
	[tilespmem:$0x10100] =	vst v63  }
0x32c: {  	s17 =	simm.s32 $0xF900  }
0x32d: {  	[tilespmem:s17], [sflag:$0x4] =	stream.indirect_vreg.gather [hbm4b:s11+s3], $0x80, v2, vm0, $0xb8;
	[tilespmem:$0x10100] =	vst v63  }
0x32e: {  	_ =	swait.ge [sflag:s30], $0x4000  }
0x32f: {  	[sflag:s30] =	ssyncset.done $0x0  }
0x330: {  	s17 =	rddreg [dreg:$0x1e];
	[sflag:s30] =	ssyncadd.s32 $0xFFFFC000  }
0x331: {  	[hbm4b:s17+s3] =	stream.linear.scatter [tilespmem:s2], [sflag:$0x7], $0x4000, $0x38;
	[tilespmem:$0x10100] =	vst v63  }
0x332: {  	_ =	swait.ge [sflag:s0], $0x4000  }
0x333: {  	[sflag:s0] =	ssyncset.done $0x0  }
0x334: {  	[sflag:s0] =	ssyncadd.s32 $0xFFFFC000  }
0x335: {  	v2 =	vld.msk [tilespmem:$0xE0], $0xff;
	_ =	sdelay $0x4  }
0x336: {  	v3 =	vshll.u32 v2, $0x4  }
0x337: {  	v2 =	vand.u32 $0x7, v2;
	v3 =	vand.u32 $0xFFFFFF80, v3  }
0x338: {  	v2 =	vor.u32 v2, v3  }
0x339: {  	v2 =	vperm.xlane v2, v0;
	_ =	sdelay $0x1  }
0x33a: {  	v2 =	vadd.s32 v1, v2;
	_ =	sdelay $0x4  }
0x33b: {  	[tilespmem:s25], [sflag:$0x1] =	stream.indirect_vreg.gather [hbm4b:s1+s3], $0x80, v2, vm0, $0xb8;
	[tilespmem:$0x10100] =	vst v63  }
0x33c: {  	s17 =	simm.s32 $0x900  }
0x33d: {  	[tilespmem:s17], [sflag:$0x1] =	stream.indirect_vreg.gather [hbm4b:s5+s3], $0x80, v2, vm0, $0xb8;
	[tilespmem:$0x10100] =	vst v63  }
0x33e: {  	s17 =	simm.s32 $0x1100  }
0x33f: {  	[tilespmem:s17], [sflag:$0x1] =	stream.indirect_vreg.gather [hbm4b:s6+s3], $0x80, v2, vm0, $0xb8;
	[tilespmem:$0x10100] =	vst v63  }
0x340: {  	s17 =	simm.s32 $0x1900  }
0x341: {  	[tilespmem:s17], [sflag:$0x1] =	stream.indirect_vreg.gather [hbm4b:s7+s3], $0x80, v2, vm0, $0xb8;
	[tilespmem:$0x10100] =	vst v63  }
0x342: {  	s17 =	simm.s32 $0x2100  }
0x343: {  	[tilespmem:s17], [sflag:$0x1] =	stream.indirect_vreg.gather [hbm4b:s8+s3], $0x80, v2, vm0, $0xb8;
	[tilespmem:$0x10100] =	vst v63  }
0x344: {  	s17 =	simm.s32 $0x2900  }
0x345: {  	[tilespmem:s17], [sflag:$0x1] =	stream.indirect_vreg.gather [hbm4b:s9+s3], $0x80, v2, vm0, $0xb8;
	[tilespmem:$0x10100] =	vst v63  }
0x346: {  	s17 =	simm.s32 $0x3100  }
0x347: {  	[tilespmem:s17], [sflag:$0x1] =	stream.indirect_vreg.gather [hbm4b:s10+s3], $0x80, v2, vm0, $0xb8;
	[tilespmem:$0x10100] =	vst v63  }
0x348: {  	s14 =	simm.s32 $0x3900  }
0x349: {  	[tilespmem:s14], [sflag:$0x1] =	stream.indirect_vreg.gather [hbm4b:s11+s3], $0x80, v2, vm0, $0xb8;
	[tilespmem:$0x10100] =	vst v63  }
0x34a: {  	_ =	swait.ge [sflag:s13], $0x4000  }
0x34b: {  	[sflag:s13] =	ssyncset.done $0x0  }
0x34c: {  	s14 =	rddreg [dreg:$0x1f];
	[sflag:s13] =	ssyncadd.s32 $0xFFFFC000  }
0x34d: {  	[hbm4b:s14+s3] =	stream.linear.scatter [tilespmem:s20], [sflag:$0x8], $0x4000, $0x38;
	[tilespmem:$0x10100] =	vst v63  }
0x34e: {  	_ =	swait.ge [sflag:s4], $0x4000  }
0x34f: {  	[sflag:s4] =	ssyncset.done $0x0  }
0x350: {  	[sflag:s4] =	ssyncadd.s32 $0xFFFFC000  }
0x351: {  	v2 =	vld.msk [tilespmem:$0xE8], $0xff;
	_ =	sdelay $0x4  }
0x352: {  	v3 =	vshll.u32 v2, $0x4  }
0x353: {  	v2 =	vand.u32 $0x7, v2;
	v3 =	vand.u32 $0xFFFFFF80, v3  }
0x354: {  	v2 =	vor.u32 v2, v3  }
0x355: {  	v2 =	vperm.xlane v2, v0;
	_ =	sdelay $0x1  }
0x356: {  	v2 =	vadd.s32 v1, v2;
	_ =	sdelay $0x4  }
0x357: {  	[tilespmem:s22], [sflag:$0x2] =	stream.indirect_vreg.gather [hbm4b:s1+s3], $0x80, v2, vm0, $0xb8;
	[tilespmem:$0x10100] =	vst v63  }
0x358: {  	s12 =	simm.s32 $0x4900  }
0x359: {  	[tilespmem:s12], [sflag:$0x2] =	stream.indirect_vreg.gather [hbm4b:s5+s3], $0x80, v2, vm0, $0xb8;
	[tilespmem:$0x10100] =	vst v63  }
0x35a: {  	s23 =	simm.s32 $0x5100  }
0x35b: {  	[tilespmem:s23], [sflag:$0x2] =	stream.indirect_vreg.gather [hbm4b:s6+s3], $0x80, v2, vm0, $0xb8;
	[tilespmem:$0x10100] =	vst v63  }
0x35c: {  	s29 =	simm.s32 $0x5900  }
0x35d: {  	[tilespmem:s29], [sflag:$0x2] =	stream.indirect_vreg.gather [hbm4b:s7+s3], $0x80, v2, vm0, $0xb8;
	[tilespmem:$0x10100] =	vst v63  }
0x35e: {  	s24 =	simm.s32 $0x6100  }
0x35f: {  	[tilespmem:s24], [sflag:$0x2] =	stream.indirect_vreg.gather [hbm4b:s8+s3], $0x80, v2, vm0, $0xb8;
	[tilespmem:$0x10100] =	vst v63  }
0x360: {  	s26 =	simm.s32 $0x6900  }
0x361: {  	[tilespmem:s26], [sflag:$0x2] =	stream.indirect_vreg.gather [hbm4b:s9+s3], $0x80, v2, vm0, $0xb8;
	[tilespmem:$0x10100] =	vst v63  }
0x362: {  	s18 =	simm.s32 $0x7100  }
0x363: {  	[tilespmem:s18], [sflag:$0x2] =	stream.indirect_vreg.gather [hbm4b:s10+s3], $0x80, v2, vm0, $0xb8;
	[tilespmem:$0x10100] =	vst v63  }
0x364: {  	s29 =	simm.s32 $0x7900  }
0x365: {  	[tilespmem:s29], [sflag:$0x2] =	stream.indirect_vreg.gather [hbm4b:s11+s3], $0x80, v2, vm0, $0xb8;
	[tilespmem:$0x10100] =	vst v63  }
0x366: {  	_ =	swait.ge [sflag:s31], $0x4000  }
0x367: {  	s12 =	sld [smem:$0x7F9]  }
0x368: {  	[sflag:s31] =	ssyncset.done $0x0  }
0x369: {  	[sflag:s31] =	ssyncadd.s32 $0xFFFFC000  }
0x36a: {  	[hbm4b:s12+s3] =	stream.linear.scatter [tilespmem:s25], [sflag:$0x5], $0x4000, $0x38;
	[tilespmem:$0x10100] =	vst v63  }
0x36b: {  	_ =	swait.ge [sflag:s15], $0x4000  }
0x36c: {  	[sflag:s15] =	ssyncset.done $0x0  }
0x36d: {  	[sflag:s15] =	ssyncadd.s32 $0xFFFFC000  }
0x36e: {  	v2 =	vld.msk [tilespmem:$0xF0], $0xff;
	_ =	sdelay $0x4  }
0x36f: {  	v3 =	vshll.u32 v2, $0x4  }
0x370: {  	v2 =	vand.u32 $0x7, v2;
	v3 =	vand.u32 $0xFFFFFF80, v3  }
0x371: {  	v2 =	vor.u32 v2, v3  }
0x372: {  	v2 =	vperm.xlane v2, v0;
	_ =	sdelay $0x1  }
0x373: {  	v2 =	vadd.s32 v1, v2;
	_ =	sdelay $0x4  }
0x374: {  	[tilespmem:s2], [sflag:$0x3] =	stream.indirect_vreg.gather [hbm4b:s1+s3], $0x80, v2, vm0, $0xb8;
	[tilespmem:$0x10100] =	vst v63  }
0x375: {  	s14 =	simm.s32 $0x8900  }
0x376: {  	[tilespmem:s14], [sflag:$0x3] =	stream.indirect_vreg.gather [hbm4b:s5+s3], $0x80, v2, vm0, $0xb8;
	[tilespmem:$0x10100] =	vst v63  }
0x377: {  	s17 =	simm.s32 $0x9100  }
0x378: {  	[tilespmem:s17], [sflag:$0x3] =	stream.indirect_vreg.gather [hbm4b:s6+s3], $0x80, v2, vm0, $0xb8;
	[tilespmem:$0x10100] =	vst v63  }
0x379: {  	s18 =	simm.s32 $0x9900  }
0x37a: {  	[tilespmem:s18], [sflag:$0x3] =	stream.indirect_vreg.gather [hbm4b:s7+s3], $0x80, v2, vm0, $0xb8;
	[tilespmem:$0x10100] =	vst v63  }
0x37b: {  	s23 =	simm.s32 $0xA100  }
0x37c: {  	[tilespmem:s23], [sflag:$0x3] =	stream.indirect_vreg.gather [hbm4b:s8+s3], $0x80, v2, vm0, $0xb8;
	[tilespmem:$0x10100] =	vst v63  }
0x37d: {  	s24 =	simm.s32 $0xA900  }
0x37e: {  	[tilespmem:s24], [sflag:$0x3] =	stream.indirect_vreg.gather [hbm4b:s9+s3], $0x80, v2, vm0, $0xb8;
	[tilespmem:$0x10100] =	vst v63  }
0x37f: {  	s26 =	simm.s32 $0xB100  }
0x380: {  	[tilespmem:s26], [sflag:$0x3] =	stream.indirect_vreg.gather [hbm4b:s10+s3], $0x80, v2, vm0, $0xb8;
	[tilespmem:$0x10100] =	vst v63  }
0x381: {  	s29 =	simm.s32 $0xB900  }
0x382: {  	[tilespmem:s29], [sflag:$0x3] =	stream.indirect_vreg.gather [hbm4b:s11+s3], $0x80, v2, vm0, $0xb8;
	[tilespmem:$0x10100] =	vst v63  }
0x383: {  	s12 =	sld [smem:$0x7F8];
	_ =	swait.ge [sflag:s19], $0x4000  }
0x384: {  	s14 =	sld [smem:$0x7FA]  }
0x385: {  	[sflag:s19] =	ssyncset.done $0x0  }
0x386: {  	[sflag:s19] =	ssyncadd.s32 $0xFFFFC000  }
0x387: {  	[hbm4b:s14+s3] =	stream.linear.scatter [tilespmem:s22], [sflag:$0x6], $0x4000, $0x38;
	[tilespmem:$0x10100] =	vst v63  }
0x388: {  	_ =	swait.ge [sflag:s16], $0x4000  }
0x389: {  	[sflag:s16] =	ssyncset.done $0x0  }
0x38a: {  	[sflag:s16] =	ssyncadd.s32 $0xFFFFC000  }
0x38b: {  	v2 =	vld.msk [tilespmem:$0xF8], $0xff;
	_ =	sdelay $0x4  }
0x38c: {  	v3 =	vshll.u32 v2, $0x4  }
0x38d: {  	v2 =	vand.u32 $0x7, v2;
	v3 =	vand.u32 $0xFFFFFF80, v3  }
0x38e: {  	v2 =	vor.u32 v2, v3  }
0x38f: {  	v2 =	vperm.xlane v2, v0;
	_ =	sdelay $0x1  }
0x390: {  	v2 =	vadd.s32 v1, v2;
	_ =	sdelay $0x4  }
0x391: {  	[tilespmem:s20], [sflag:$0x4] =	stream.indirect_vreg.gather [hbm4b:s1+s3], $0x80, v2, vm0, $0xb8;
	[tilespmem:$0x10100] =	vst v63  }
0x392: {  	s21 =	simm.s32 $0xC900  }
0x393: {  	[tilespmem:s21], [sflag:$0x4] =	stream.indirect_vreg.gather [hbm4b:s5+s3], $0x80, v2, vm0, $0xb8;
	[tilespmem:$0x10100] =	vst v63  }
0x394: {  	s28 =	simm.s32 $0xD100  }
0x395: {  	[tilespmem:s28], [sflag:$0x4] =	stream.indirect_vreg.gather [hbm4b:s6+s3], $0x80, v2, vm0, $0xb8;
	[tilespmem:$0x10100] =	vst v63  }
0x396: {  	s18 =	simm.s32 $0xD900  }
0x397: {  	[tilespmem:s18], [sflag:$0x4] =	stream.indirect_vreg.gather [hbm4b:s7+s3], $0x80, v2, vm0, $0xb8;
	[tilespmem:$0x10100] =	vst v63  }
0x398: {  	s21 =	simm.s32 $0xE100  }
0x399: {  	[tilespmem:s21], [sflag:$0x4] =	stream.indirect_vreg.gather [hbm4b:s8+s3], $0x80, v2, vm0, $0xb8;
	[tilespmem:$0x10100] =	vst v63  }
0x39a: {  	s23 =	simm.s32 $0xE900  }
0x39b: {  	[tilespmem:s23], [sflag:$0x4] =	stream.indirect_vreg.gather [hbm4b:s9+s3], $0x80, v2, vm0, $0xb8;
	[tilespmem:$0x10100] =	vst v63  }
0x39c: {  	s24 =	simm.s32 $0xF100  }
0x39d: {  	[tilespmem:s24], [sflag:$0x4] =	stream.indirect_vreg.gather [hbm4b:s10+s3], $0x80, v2, vm0, $0xb8;
	[tilespmem:$0x10100] =	vst v63  }
0x39e: {  	s26 =	simm.s32 $0xF900  }
0x39f: {  	[tilespmem:s26], [sflag:$0x4] =	stream.indirect_vreg.gather [hbm4b:s11+s3], $0x80, v2, vm0, $0xb8;
	[tilespmem:$0x10100] =	vst v63  }
0x3a0: {  	_ =	swait.ge [sflag:s30], $0x4000  }
0x3a1: {  	s28 =	sld [smem:$0x7FB]  }
0x3a2: {  	[sflag:s30] =	ssyncset.done $0x0  }
0x3a3: {  	[sflag:s30] =	ssyncadd.s32 $0xFFFFC000  }
0x3a4: {  	[hbm4b:s28+s3] =	stream.linear.scatter [tilespmem:s2], [sflag:$0x7], $0x4000, $0x38;
	[tilespmem:$0x10100] =	vst v63  }
0x3a5: {  	_ =	swait.ge [sflag:s13], $0x4000  }
0x3a6: {  	s29 =	sld [smem:$0x7FD]  }
0x3a7: {  	[sflag:s13] =	ssyncset.done $0x0  }
0x3a8: {  	[sflag:s13] =	ssyncadd.s32 $0xFFFFC000  }
0x3a9: {  	[hbm4b:s29+s3] =	stream.linear.scatter [tilespmem:s20], [sflag:$0x8], $0x4000, $0x38;
	[tilespmem:$0x10100] =	vst v63  }
0x3aa: {  	_ =	swait.ge [sflag:s0], $0x4000  }
0x3ab: {  	[sflag:s0] =	ssyncset.done $0x0  }
0x3ac: {  	[sflag:s0] =	ssyncadd.s32 $0xFFFFC000  }
0x3ad: {  	_ =	swait.ge [sflag:s4], $0x4000  }
0x3ae: {  	[sflag:s4] =	ssyncset.done $0x0  }
0x3af: {  	[sflag:s4] =	ssyncadd.s32 $0xFFFFC000  }
0x3b0: {  	p0 =	sne.s32 s12, $0x1;
	_ =	swait.ge [sflag:s15], $0x4000  }
.Ltmp0:
0x3b1: {  	[sflag:s15] =	ssyncset.done $0x0;
	(pc) =	sbr.rel @p0 .LBB2_1-.Ltmp0, $4  }
0x3b2: {  	[sflag:s15] =	ssyncadd.s32 $0xFFFFC000  }
0x3b3: {  	_ =	swait.ge [sflag:s16], $0x4000  }
0x3b4: {  	[sflag:s16] =	ssyncset.done $0x0  }
0x3b5: {  	s12 =	sadd.s32 $0xFFFFFFFF, s12;
	[sflag:s16] =	ssyncadd.s32 $0xFFFFC000  }
0x3b6: {  	_ =	sfence.sel $0x180000  }
0x3b7: {  	[bflag:$0x0] =	sbarrier.arrive $0xFFFF  }
0x3b8: {  	_ =	strace $0x90000047  }
0x3b9: {  	s0 =	stileid.u32;
	[bflag:$0x2] =	sbarrier.arrive $0xFFFF  }
0x3ba: {  	p0 =	sne.s32 s0, $0x0;
	s0 =	rddreg [dreg:$0x3]  }
0x3bb: {  	s0 =	sadd.s32 @!p0 $0x100000, s0  }
0x3bc: {  	[sflag:s0] =	ssyncadd.tile.s32 @!p0 $0x1;
	_ =	shalt  }
.Lfunc_end2:
_tile_overlayer_lowered:
.L_overlay_start_2:
0x3bd: {  	(tag) =	ssettag $0x2  }
0x3be: {  	s0 =	rddreg [dreg:$0x0];
	s2 =	stileid.u32  }
0x3bf: {  	s1 =	rddreg [dreg:$0x1];
	p0 =	sne.s32 s2, $0x0  }
0x3c0: {  	s3 =	rddreg [dreg:$0x2];
	[bflag:$0x3] =	sbarrier.arrive $0xFFFF;
	s2 =	simm.s32 @!p0 $0x1C09  }
0x3c1: {  	[timem:s3], [sflag:s2] =	dma.local @!p0 [hbm:s0], s1  }
0x3c2: {  	s0 =	simm.s32 @!p0 $0x9  }
0x3c3: {  	_ =	swait.ge @!p0 [sflag:s0], s1  }
0x3c4: {  	s1 =	ssub.s32 @!p0 $0x0, s1;
	[sflag:s0] =	ssyncset.done @!p0 $0x0  }
0x3c5: {  	[sflag:s0] =	ssyncadd.s32 @!p0 s1  }
0x3c6: {  	[bflag:$0x3] =	sbarrier.arrive $0xFFFF  }
0x3c7: {  	_ =	shalt  }

</sc_bundles>
